<compile_context>
chip_gen: v7x
topology: tpu7x:2x2x1
jax: 0.10.2.dev20260603
libtpu: 0.0.44.dev20260713+nightly
codegen_flags: <defaults>
</compile_context>

<pallas_src>
import functools

import jax
import jax.numpy as jnp
from jax import lax
from jax.experimental import pallas as pl
from jax.experimental.pallas import tpu as pltpu
from jax.experimental.pallas import tpu_sc as plsc

_NC = 2
_NS = 16
_NW = _NC * _NS
_L = 16
_CHUNK = 100
_NBUF = 4
_CBREL = 8192


def _sc_pooled_sum(x2, table):
  twoB, chunk = x2.shape
  assert chunk == _CHUNK
  B = twoB // 2
  D = 2 * table.shape[1]
  assert D % (2 * _L) == 0 and B % _NW == 0
  b_per_w = B // _NW
  c_per_w = 2 * b_per_w
  nd = D // _L

  mesh = plsc.VectorSubcoreMesh(
      core_axis_name="c", subcore_axis_name="s",
      num_cores=_NC, num_subcores=_NS)

  @functools.partial(
      pl.kernel,
      out_type=jax.ShapeDtypeStruct((B, D), jnp.float32),
      mesh=mesh,
      scratch_types=[
          pltpu.VMEM((c_per_w, _CHUNK), jnp.int32),
          pltpu.VMEM((_NBUF, _CHUNK, D // 2), jnp.int32),
          pltpu.VMEM((b_per_w, D), jnp.float32),
      ] + [pltpu.SemaphoreType.DMA] * _NBUF,
      compiler_params=pltpu.CompilerParams(use_tc_tiling_on_sc=False),
  )
  def k(x2_hbm, table_hbm, out_hbm, idx_v, rows_v, out_v, *sems):
    wid = lax.axis_index("s") * _NC + lax.axis_index("c")
    cbase = wid * c_per_w
    bbase = wid * b_per_w

    pltpu.sync_copy(x2_hbm.at[pl.ds(cbase, c_per_w)], idx_v)

    for k0 in range(_NBUF):
      pltpu.async_copy(table_hbm.at[idx_v.at[k0]], rows_v.at[k0], sems[k0])

    def accum_chunk(buf, accs):
      def body(r4, accs):
        accs = list(accs)
        for u in range(4):
          r = r4 * 4 + u
          for h in range(nd // 2):
            w = rows_v[buf, r, h * _L:(h + 1) * _L]
            a = lax.bitcast_convert_type(w << 16, jnp.float32)
            b = lax.bitcast_convert_type(
                w & jnp.int32(-65536), jnp.float32)
            accs[h] = accs[h] + a
            accs[h + 2] = accs[h + 2] + b
        return tuple(accs)
      return lax.fori_loop(0, _CHUNK // 4, body, accs)

    def pair_body(p, carry):
      for half in range(2):
        i = 2 * p + half
        accs = tuple(jnp.zeros((_L,), jnp.float32) for _ in range(nd))
        for k1 in (2 * half, 2 * half + 1):
          c = 4 * p + k1
          pltpu.make_async_copy(
              table_hbm.at[idx_v.at[c]], rows_v.at[k1], sems[k1]).wait()
          accs = accum_chunk(k1, accs)

          @pl.when(c + _NBUF < c_per_w)
          def _():
            pltpu.async_copy(
                table_hbm.at[idx_v.at[c + _NBUF]], rows_v.at[k1], sems[k1])

        for d in range(nd):
          out_v[i, d * _L:(d + 1) * _L] = accs[d]
      return carry

    lax.fori_loop(0, b_per_w // 2, pair_body, 0)
    pltpu.sync_copy(out_v, out_hbm.at[pl.ds(bbase, b_per_w)])

  return k(x2, table)


def _rne_bf16_bits(x):
  bits = lax.bitcast_convert_type(x, jnp.int32)
  return bits + jnp.int32(0x7FFF) + ((bits >> 16) & jnp.int32(1))


def _tc_relayout(tT):
  D, V = tT.shape
  CB = _CBREL
  NB = pl.cdiv(V, 4 * CB)

  def body(in_ref, out_ref):
    t = in_ref[...]
    parts = []
    for m in range(4):
      tm = t[:, m * CB:(m + 1) * CB]
      parts.append(
          ((_rne_bf16_bits(tm[:D // 2]) >> 16) & jnp.int32(0xFFFF)) | (
              _rne_bf16_bits(tm[D // 2:]) & jnp.int32(-65536)))
    z = jnp.concatenate(parts, axis=0)
    out_ref[...] = z.T

  return pl.pallas_call(
      body,
      grid=(NB,),
      in_specs=[pl.BlockSpec((D, 4 * CB), lambda i: (0, i))],
      out_specs=pl.BlockSpec((CB, 2 * D), lambda i: (i, 0)),
      out_shape=jax.ShapeDtypeStruct((NB * CB, 2 * D), jnp.int32),
      compiler_params=pltpu.CompilerParams(
          vmem_limit_bytes=100 * 1024 * 1024),
  )(tT)


def _tc_head(x, pooled_sum, fc_w, fc_b2):
  B, S = x.shape
  D = pooled_sum.shape[1]
  C = fc_w.shape[0]
  BLK = 256
  assert B % BLK == 0

  def body(x_ref, ps_ref, w_ref, b_ref, out_ref):
    cnt = jnp.sum((x_ref[...] != 0).astype(jnp.float32), axis=1,
                  keepdims=True)
    pooled = jnp.maximum(ps_ref[...] / cnt, 0.0)
    out_ref[...] = lax.dot_general(
        w_ref[...], pooled, (((1,), (1,)), ((), ())),
        preferred_element_type=jnp.float32) + b_ref[...]

  return pl.pallas_call(
      body,
      grid=(B // BLK,),
      in_specs=[
          pl.BlockSpec((BLK, S), lambda i: (i, 0)),
          pl.BlockSpec((BLK, D), lambda i: (i, 0)),
          pl.BlockSpec((C, D), lambda i: (0, 0)),
          pl.BlockSpec((C, 1), lambda i: (0, 0)),
      ],
      out_specs=pl.BlockSpec((C, BLK), lambda i: (0, i)),
      out_shape=jax.ShapeDtypeStruct((C, B), jnp.float32),
  )(x, pooled_sum, fc_w, fc_b2)


def kernel(x, table, fc_w, fc_b):
  B, S = x.shape
  V, D = table.shape
  x = x.astype(jnp.int32)
  shift = _CBREL.bit_length() - 1
  q, r = x >> shift, x & (_CBREL - 1)
  px = (((q >> 2) << shift) + r) * 4 + (q & 3)
  x2 = px.reshape(2 * B, S // 2)
  tableT, x2 = jax.lax.optimization_barrier((table.T, x2))
  tableW = _tc_relayout(tableT)
  tableI = tableW.reshape(tableW.shape[0] * 4, D // 2)
  pooled_sum = _sc_pooled_sum(x2, tableI)
  return _tc_head(x, pooled_sum, fc_w, fc_b.reshape(-1, 1)).T

# --- scband reference (transcript-rebuilt; emitter-appended) ---
"""Pipeline reference for scband-fast-text-73254962200769 (READ-ONLY COPY).

The authoritative reference and input builder live on the scoring server;
editing this copy changes nothing except your own understanding.
"""

import jax, jax.numpy as jnp
import numpy as np

VOCAB = 1000000
EMB = 64
NUM_CLASSES = 100
PAD_IDX = 0
BATCH = 4096
SEQ = 200


def setup_inputs(seed: int = 0) -> dict:
    key = jax.random.key(seed)
    k1, k2, k3, k4 = jax.random.split(key, 4)
    x = jax.random.randint(k1, (BATCH, SEQ), 0, VOCAB, dtype=jnp.int64 if jax.config.jax_enable_x64 else jnp.int32)
    table = jax.random.normal(k2, (VOCAB, EMB), dtype=jnp.float32) * 0.02
    table = table.at[PAD_IDX].set(0.0)
    fc_w = jax.random.normal(k3, (NUM_CLASSES, EMB), dtype=jnp.float32) * 0.02
    fc_b = jax.random.normal(k4, (NUM_CLASSES,), dtype=jnp.float32) * 0.02
    return {"x": x, "table": table, "fc_w": fc_w, "fc_b": fc_b}


def reference(x, table, fc_w, fc_b):
    # FastText forward (eval mode: dropout is identity)
    non_pad_mask = (x != PAD_IDX)
    emb = jnp.take(table, x, axis=0)  # [B, S, D] embedding gather
    counts = non_pad_mask.sum(axis=1, keepdims=True).astype(jnp.float32)  # [B, 1]
    pooled = emb.sum(axis=1) / counts  # [B, D]
    pooled = jax.nn.relu(pooled)  # use_relu=True
    out = pooled @ fc_w.T + fc_b  # [B, num_classes]
    return out

if __name__ == "__main__":
    import jax
    _d = setup_inputs()
    print(jax.jit(kernel)(*tuple(_d.values())))

</pallas_src>

<mosaic_0001>
#map = affine_map<(d0, d1) -> (0, 0)>
module attributes {stable_mosaic.version = 14 : i64} {
  func.func @k(%arg0: i32, %arg1: i32, %arg2: memref<8192x100xi32, #tpu.memory_space<hbm>>, %arg3: memref<1015808x32xi32, #tpu.memory_space<hbm>>, %arg4: memref<4096x64xf32, #tpu.memory_space<hbm>>, %arg5: memref<256x100xi32, #tpu.memory_space<vmem>>, %arg6: memref<4x100x32xi32, #tpu.memory_space<vmem>>, %arg7: memref<128x64xf32, #tpu.memory_space<vmem>>, %arg8: memref<!tpu.dma_semaphore, #tpu.memory_space<semaphore_mem>>, %arg9: memref<!tpu.dma_semaphore, #tpu.memory_space<semaphore_mem>>, %arg10: memref<!tpu.dma_semaphore, #tpu.memory_space<semaphore_mem>>, %arg11: memref<!tpu.dma_semaphore, #tpu.memory_space<semaphore_mem>>) attributes {dimension_semantics = [#tpu.dimension_semantics<core_parallel>, #tpu.dimension_semantics<subcore_parallel>], iteration_bounds = array<i64: 2, 16>, scalar_prefetch = 0 : i64, scratch_operands = 7 : i64, tpu.core_type = #tpu.core_type<sc_vector_subcore>, window_params = [{transform_indices = #map}, {transform_indices = #map}, {transform_indices = #map}]} {
    %mul3A = arith.constant 2 : i32
    %mul3A_0 = arith.muli %arg1, %mul3A : i32
    %add3A = arith.addi %mul3A_0, %arg0 : i32
    %mul3A_1 = arith.constant 256 : i32
    %mul3A_2 = arith.muli %add3A, %mul3A_1 : i32
    %mul3A_3 = arith.constant 128 : i32
    %mul3A_4 = arith.muli %add3A, %mul3A_3 : i32
    "tpu.region"() ({
      %run_scoped3A = tpu.sem_alloc : memref<!tpu.dma_semaphore, #tpu.memory_space<semaphore_mem>>
      %dma_start3A_57 = arith.constant 0 : i32
      %dma_start3A_58 = tpu.memref_slice %arg2[%mul3A_2, %dma_start3A_57] : memref<8192x100xi32, #tpu.memory_space<hbm>> -> memref<256x100xi32, #tpu.memory_space<hbm>>
      %dma_start3A_59 = arith.constant 0 : i32
      %dma_start3A_60 = tpu.memref_slice %arg2[%mul3A_2, %dma_start3A_59] : memref<8192x100xi32, #tpu.memory_space<hbm>> -> memref<256x100xi32, #tpu.memory_space<hbm>>
      tpu.enqueue_dma source(%dma_start3A_60 : memref<256x100xi32, #tpu.memory_space<hbm>>) target(%arg5 : memref<256x100xi32, #tpu.memory_space<vmem>>) target_semaphore(%run_scoped3A : memref<!tpu.dma_semaphore, #tpu.memory_space<semaphore_mem>>)
      %dma_wait3A = arith.constant 0 : i32
      %dma_wait3A_61 = tpu.memref_slice %arg2[%mul3A_2, %dma_wait3A] : memref<8192x100xi32, #tpu.memory_space<hbm>> -> memref<256x100xi32, #tpu.memory_space<hbm>>
      %dma_wait3A_62 = arith.constant 0 : i32
      %dma_wait3A_63 = tpu.memref_slice %arg2[%mul3A_2, %dma_wait3A_62] : memref<8192x100xi32, #tpu.memory_space<hbm>> -> memref<256x100xi32, #tpu.memory_space<hbm>>
      tpu.wait_dma2 semaphore(%run_scoped3A : memref<!tpu.dma_semaphore, #tpu.memory_space<semaphore_mem>>) src(%dma_wait3A_63 : memref<256x100xi32, #tpu.memory_space<hbm>>) dst(%arg5 : memref<256x100xi32, #tpu.memory_space<vmem>>)
      tpu.yield
    }) : () -> ()
    %dma_start3A = arith.constant 0 : i32
    %dma_start3A_5 = arith.constant 0 : i32
    %dma_start3A_6 = arith.constant 0 : i32
    %dma_start3A_7 = arith.constant 0 : i32
    %dma_start3A_8 = tpu.memref_slice %arg6[%dma_start3A_5, %dma_start3A_6, %dma_start3A_7] : memref<4x100x32xi32, #tpu.memory_space<vmem>> -> memref<1x100x32xi32, #tpu.memory_space<vmem>>
    %dma_start3A_9 = tpu.memref_squeeze %dma_start3A_8 : memref<1x100x32xi32, #tpu.memory_space<vmem>> -> memref<100x32xi32, #tpu.memory_space<vmem>>
    %dma_start3A_10 = arith.constant 0 : i32
    %dma_start3A_11 = tpu.memref_slice %arg5[%dma_start3A, %dma_start3A_10] : memref<256x100xi32, #tpu.memory_space<vmem>> -> memref<1x100xi32, #tpu.memory_space<vmem>>
    %dma_start3A_12 = tpu.memref_squeeze %dma_start3A_11 : memref<1x100xi32, #tpu.memory_space<vmem>> -> memref<100xi32, #tpu.memory_space<vmem>>
    %dma_start3A_13 = arith.constant 0 : i32
    %dma_start3A_14 = arith.constant 0 : i32
    %dma_start3A_15 = tpu.memref_slice %arg3[%dma_start3A_13, %dma_start3A_14] : memref<1015808x32xi32, #tpu.memory_space<hbm>> -> memref<1015808x32xi32, #tpu.memory_space<hbm>>
    tpu.enqueue_indirect_dma source(%dma_start3A_15 : memref<1015808x32xi32, #tpu.memory_space<hbm>>) target(%dma_start3A_9 : memref<100x32xi32, #tpu.memory_space<vmem>>) offsets(%dma_start3A_12 : memref<100xi32, #tpu.memory_space<vmem>>) semaphore(%arg8 : memref<!tpu.dma_semaphore, #tpu.memory_space<semaphore_mem>>)
    %dma_start3A_16 = arith.constant 1 : i32
    %dma_start3A_17 = arith.constant 1 : i32
    %dma_start3A_18 = arith.constant 0 : i32
    %dma_start3A_19 = arith.constant 0 : i32
    %dma_start3A_20 = tpu.memref_slice %arg6[%dma_start3A_17, %dma_start3A_18, %dma_start3A_19] : memref<4x100x32xi32, #tpu.memory_space<vmem>> -> memref<1x100x32xi32, #tpu.memory_space<vmem>>
    %dma_start3A_21 = tpu.memref_squeeze %dma_start3A_20 : memref<1x100x32xi32, #tpu.memory_space<vmem>> -> memref<100x32xi32, #tpu.memory_space<vmem>>
    %dma_start3A_22 = arith.constant 0 : i32
    %dma_start3A_23 = tpu.memref_slice %arg5[%dma_start3A_16, %dma_start3A_22] : memref<256x100xi32, #tpu.memory_space<vmem>> -> memref<1x100xi32, #tpu.memory_space<vmem>>
    %dma_start3A_24 = tpu.memref_squeeze %dma_start3A_23 : memref<1x100xi32, #tpu.memory_space<vmem>> -> memref<100xi32, #tpu.memory_space<vmem>>
    %dma_start3A_25 = arith.constant 0 : i32
    %dma_start3A_26 = arith.constant 0 : i32
    %dma_start3A_27 = tpu.memref_slice %arg3[%dma_start3A_25, %dma_start3A_26] : memref<1015808x32xi32, #tpu.memory_space<hbm>> -> memref<1015808x32xi32, #tpu.memory_space<hbm>>
    tpu.enqueue_indirect_dma source(%dma_start3A_27 : memref<1015808x32xi32, #tpu.memory_space<hbm>>) target(%dma_start3A_21 : memref<100x32xi32, #tpu.memory_space<vmem>>) offsets(%dma_start3A_24 : memref<100xi32, #tpu.memory_space<vmem>>) semaphore(%arg9 : memref<!tpu.dma_semaphore, #tpu.memory_space<semaphore_mem>>)
    %dma_start3A_28 = arith.constant 2 : i32
    %dma_start3A_29 = arith.constant 2 : i32
    %dma_start3A_30 = arith.constant 0 : i32
    %dma_start3A_31 = arith.constant 0 : i32
    %dma_start3A_32 = tpu.memref_slice %arg6[%dma_start3A_29, %dma_start3A_30, %dma_start3A_31] : memref<4x100x32xi32, #tpu.memory_space<vmem>> -> memref<1x100x32xi32, #tpu.memory_space<vmem>>
    %dma_start3A_33 = tpu.memref_squeeze %dma_start3A_32 : memref<1x100x32xi32, #tpu.memory_space<vmem>> -> memref<100x32xi32, #tpu.memory_space<vmem>>
    %dma_start3A_34 = arith.constant 0 : i32
    %dma_start3A_35 = tpu.memref_slice %arg5[%dma_start3A_28, %dma_start3A_34] : memref<256x100xi32, #tpu.memory_space<vmem>> -> memref<1x100xi32, #tpu.memory_space<vmem>>
    %dma_start3A_36 = tpu.memref_squeeze %dma_start3A_35 : memref<1x100xi32, #tpu.memory_space<vmem>> -> memref<100xi32, #tpu.memory_space<vmem>>
    %dma_start3A_37 = arith.constant 0 : i32
    %dma_start3A_38 = arith.constant 0 : i32
    %dma_start3A_39 = tpu.memref_slice %arg3[%dma_start3A_37, %dma_start3A_38] : memref<1015808x32xi32, #tpu.memory_space<hbm>> -> memref<1015808x32xi32, #tpu.memory_space<hbm>>
    tpu.enqueue_indirect_dma source(%dma_start3A_39 : memref<1015808x32xi32, #tpu.memory_space<hbm>>) target(%dma_start3A_33 : memref<100x32xi32, #tpu.memory_space<vmem>>) offsets(%dma_start3A_36 : memref<100xi32, #tpu.memory_space<vmem>>) semaphore(%arg10 : memref<!tpu.dma_semaphore, #tpu.memory_space<semaphore_mem>>)
    %dma_start3A_40 = arith.constant 3 : i32
    %dma_start3A_41 = arith.constant 3 : i32
    %dma_start3A_42 = arith.constant 0 : i32
    %dma_start3A_43 = arith.constant 0 : i32
    %dma_start3A_44 = tpu.memref_slice %arg6[%dma_start3A_41, %dma_start3A_42, %dma_start3A_43] : memref<4x100x32xi32, #tpu.memory_space<vmem>> -> memref<1x100x32xi32, #tpu.memory_space<vmem>>
    %dma_start3A_45 = tpu.memref_squeeze %dma_start3A_44 : memref<1x100x32xi32, #tpu.memory_space<vmem>> -> memref<100x32xi32, #tpu.memory_space<vmem>>
    %dma_start3A_46 = arith.constant 0 : i32
    %dma_start3A_47 = tpu.memref_slice %arg5[%dma_start3A_40, %dma_start3A_46] : memref<256x100xi32, #tpu.memory_space<vmem>> -> memref<1x100xi32, #tpu.memory_space<vmem>>
    %dma_start3A_48 = tpu.memref_squeeze %dma_start3A_47 : memref<1x100xi32, #tpu.memory_space<vmem>> -> memref<100xi32, #tpu.memory_space<vmem>>
    %dma_start3A_49 = arith.constant 0 : i32
    %dma_start3A_50 = arith.constant 0 : i32
    %dma_start3A_51 = tpu.memref_slice %arg3[%dma_start3A_49, %dma_start3A_50] : memref<1015808x32xi32, #tpu.memory_space<hbm>> -> memref<1015808x32xi32, #tpu.memory_space<hbm>>
    tpu.enqueue_indirect_dma source(%dma_start3A_51 : memref<1015808x32xi32, #tpu.memory_space<hbm>>) target(%dma_start3A_45 : memref<100x32xi32, #tpu.memory_space<vmem>>) offsets(%dma_start3A_48 : memref<100xi32, #tpu.memory_space<vmem>>) semaphore(%arg11 : memref<!tpu.dma_semaphore, #tpu.memory_space<semaphore_mem>>)
    %scan3A = arith.constant 0 : i32
    %scan3A_52 = arith.constant 0 : i32
    %scan3A_53 = arith.constant 64 : i32
    %scan3A_54 = arith.addi %scan3A_52, %scan3A_53 : i32
    %scan3A_55 = arith.constant 1 : i32
    scf.for %scan3A_57 = %scan3A_52 to %scan3A_54 step %scan3A_55  : i32 {
      %mul3A_58 = arith.constant 2 : i32
      %mul3A_59 = arith.muli %mul3A_58, %scan3A_57 : i32
      %add3A_60 = arith.constant 0 : i32
      %add3A_61 = arith.addi %mul3A_59, %add3A_60 : i32
      %broadcast_in_dim3A = arith.constant 0.000000e+00 : f32
      %broadcast_in_dim3A_62 = vector.broadcast %broadcast_in_dim3A : f32 to vector<16xf32>
      %broadcast_in_dim3A_63 = arith.constant 0.000000e+00 : f32
      %broadcast_in_dim3A_64 = vector.broadcast %broadcast_in_dim3A_63 : f32 to vector<16xf32>
      %broadcast_in_dim3A_65 = arith.constant 0.000000e+00 : f32
      %broadcast_in_dim3A_66 = vector.broadcast %broadcast_in_dim3A_65 : f32 to vector<16xf32>
      %broadcast_in_dim3A_67 = arith.constant 0.000000e+00 : f32
      %broadcast_in_dim3A_68 = vector.broadcast %broadcast_in_dim3A_67 : f32 to vector<16xf32>
      %mul3A_69 = arith.constant 4 : i32
      %mul3A_70 = arith.muli %mul3A_69, %scan3A_57 : i32
      %add3A_71 = arith.constant 0 : i32
      %add3A_72 = arith.addi %mul3A_70, %add3A_71 : i32
      %dma_wait3A = arith.constant 0 : i32
      %dma_wait3A_73 = arith.constant 0 : i32
      %dma_wait3A_74 = arith.constant 0 : i32
      %dma_wait3A_75 = tpu.memref_slice %arg6[%dma_wait3A, %dma_wait3A_73, %dma_wait3A_74] : memref<4x100x32xi32, #tpu.memory_space<vmem>> -> memref<1x100x32xi32, #tpu.memory_space<vmem>>
      %dma_wait3A_76 = tpu.memref_squeeze %dma_wait3A_75 : memref<1x100x32xi32, #tpu.memory_space<vmem>> -> memref<100x32xi32, #tpu.memory_space<vmem>>
      %dma_wait3A_77 = arith.constant 0 : i32
      %dma_wait3A_78 = tpu.memref_slice %arg5[%add3A_72, %dma_wait3A_77] : memref<256x100xi32, #tpu.memory_space<vmem>> -> memref<1x100xi32, #tpu.memory_space<vmem>>
      %dma_wait3A_79 = tpu.memref_squeeze %dma_wait3A_78 : memref<1x100xi32, #tpu.memory_space<vmem>> -> memref<100xi32, #tpu.memory_space<vmem>>
      %dma_wait3A_80 = arith.constant 0 : i32
      %dma_wait3A_81 = arith.constant 0 : i32
      %dma_wait3A_82 = tpu.memref_slice %arg3[%dma_wait3A_80, %dma_wait3A_81] : memref<1015808x32xi32, #tpu.memory_space<hbm>> -> memref<1015808x32xi32, #tpu.memory_space<hbm>>
      tpu.wait_indirect_dma semaphore(%arg8 : memref<!tpu.dma_semaphore, #tpu.memory_space<semaphore_mem>>) src(%dma_wait3A_82 : memref<1015808x32xi32, #tpu.memory_space<hbm>>) dst(%dma_wait3A_76 : memref<100x32xi32, #tpu.memory_space<vmem>>)
      %scan3A_83 = arith.constant 0 : i32
      %scan3A_84 = arith.constant 25 : i32
      %scan3A_85 = arith.addi %scan3A_83, %scan3A_84 : i32
      %scan3A_86 = arith.constant 1 : i32
      %scan3A_87:4 = scf.for %scan3A_228 = %scan3A_83 to %scan3A_85 step %scan3A_86 iter_args(%scan3A_229 = %broadcast_in_dim3A_62, %scan3A_230 = %broadcast_in_dim3A_64, %scan3A_231 = %broadcast_in_dim3A_66, %scan3A_232 = %broadcast_in_dim3A_68) -> (vector<16xf32>, vector<16xf32>, vector<16xf32>, vector<16xf32>)  : i32 {
        %mul3A_233 = arith.constant 4 : i32
        %mul3A_234 = arith.muli %scan3A_228, %mul3A_233 : i32
        %add3A_235 = arith.constant 0 : i32
        %add3A_236 = arith.addi %mul3A_234, %add3A_235 : i32
        %get3A = arith.constant 0 : i32
        %get3A_237 = arith.index_cast %get3A : i32 to index
        %get3A_238 = arith.index_cast %add3A_236 : i32 to index
        %get3A_239 = arith.constant 0 : index
        %get3A_240 = tpu.vector_load %arg6[%get3A_237, %get3A_238, %get3A_239] {strides = array<i32>} : memref<4x100x32xi32, #tpu.memory_space<vmem>>, vector<1x1x16xi32>,
        %get3A_241 = vector.shape_cast %get3A_240 : vector<1x1x16xi32> to vector<16xi32>
        %shift_left3A = arith.constant 16 : i32
        %shift_left3A_242 = vector.broadcast %shift_left3A : i32 to vector<16xi32>
        %shift_left3A_243 = arith.shli %get3A_241, %shift_left3A_242 : vector<16xi32>
        %bitcast_convert_type3A = tpu.bitcast %shift_left3A_243 : vector<16xi32> -> vector<16xf32>
        %and3A = arith.constant -65536 : i32
        %and3A_244 = vector.broadcast %and3A : i32 to vector<16xi32>
        %and3A_245 = arith.andi %get3A_241, %and3A_244 : vector<16xi32>
        %bitcast_convert_type3A_246 = tpu.bitcast %and3A_245 : vector<16xi32> -> vector<16xf32>
        %add3A_247 = arith.addf %scan3A_229, %bitcast_convert_type3A : vector<16xf32>
        %add3A_248 = arith.addf %scan3A_231, %bitcast_convert_type3A_246 : vector<16xf32>
        %get3A_249 = arith.constant 0 : i32
        %get3A_250 = arith.index_cast %get3A_249 : i32 to index
        %get3A_251 = arith.index_cast %add3A_236 : i32 to index
        %get3A_252 = arith.constant 16 : index
        %get3A_253 = tpu.vector_load %arg6[%get3A_250, %get3A_251, %get3A_252] {strides = array<i32>} : memref<4x100x32xi32, #tpu.memory_space<vmem>>, vector<1x1x16xi32>,
        %get3A_254 = vector.shape_cast %get3A_253 : vector<1x1x16xi32> to vector<16xi32>
        %shift_left3A_255 = arith.constant 16 : i32
        %shift_left3A_256 = vector.broadcast %shift_left3A_255 : i32 to vector<16xi32>
        %shift_left3A_257 = arith.shli %get3A_254, %shift_left3A_256 : vector<16xi32>
        %bitcast_convert_type3A_258 = tpu.bitcast %shift_left3A_257 : vector<16xi32> -> vector<16xf32>
        %and3A_259 = arith.constant -65536 : i32
        %and3A_260 = vector.broadcast %and3A_259 : i32 to vector<16xi32>
        %and3A_261 = arith.andi %get3A_254, %and3A_260 : vector<16xi32>
        %bitcast_convert_type3A_262 = tpu.bitcast %and3A_261 : vector<16xi32> -> vector<16xf32>
        %add3A_263 = arith.addf %scan3A_230, %bitcast_convert_type3A_258 : vector<16xf32>
        %add3A_264 = arith.addf %scan3A_232, %bitcast_convert_type3A_262 : vector<16xf32>
        %mul3A_265 = arith.constant 4 : i32
        %mul3A_266 = arith.muli %scan3A_228, %mul3A_265 : i32
        %add3A_267 = arith.constant 1 : i32
        %add3A_268 = arith.addi %mul3A_266, %add3A_267 : i32
        %get3A_269 = arith.constant 0 : i32
        %get3A_270 = arith.index_cast %get3A_269 : i32 to index
        %get3A_271 = arith.index_cast %add3A_268 : i32 to index
        %get3A_272 = arith.constant 0 : index
        %get3A_273 = tpu.vector_load %arg6[%get3A_270, %get3A_271, %get3A_272] {strides = array<i32>} : memref<4x100x32xi32, #tpu.memory_space<vmem>>, vector<1x1x16xi32>,
        %get3A_274 = vector.shape_cast %get3A_273 : vector<1x1x16xi32> to vector<16xi32>
        %shift_left3A_275 = arith.constant 16 : i32
        %shift_left3A_276 = vector.broadcast %shift_left3A_275 : i32 to vector<16xi32>
        %shift_left3A_277 = arith.shli %get3A_274, %shift_left3A_276 : vector<16xi32>
        %bitcast_convert_type3A_278 = tpu.bitcast %shift_left3A_277 : vector<16xi32> -> vector<16xf32>
        %and3A_279 = arith.constant -65536 : i32
        %and3A_280 = vector.broadcast %and3A_279 : i32 to vector<16xi32>
        %and3A_281 = arith.andi %get3A_274, %and3A_280 : vector<16xi32>
        %bitcast_convert_type3A_282 = tpu.bitcast %and3A_281 : vector<16xi32> -> vector<16xf32>
        %add3A_283 = arith.addf %add3A_247, %bitcast_convert_type3A_278 : vector<16xf32>
        %add3A_284 = arith.addf %add3A_248, %bitcast_convert_type3A_282 : vector<16xf32>
        %get3A_285 = arith.constant 0 : i32
        %get3A_286 = arith.index_cast %get3A_285 : i32 to index
        %get3A_287 = arith.index_cast %add3A_268 : i32 to index
        %get3A_288 = arith.constant 16 : index
        %get3A_289 = tpu.vector_load %arg6[%get3A_286, %get3A_287, %get3A_288] {strides = array<i32>} : memref<4x100x32xi32, #tpu.memory_space<vmem>>, vector<1x1x16xi32>,
        %get3A_290 = vector.shape_cast %get3A_289 : vector<1x1x16xi32> to vector<16xi32>
        %shift_left3A_291 = arith.constant 16 : i32
        %shift_left3A_292 = vector.broadcast %shift_left3A_291 : i32 to vector<16xi32>
        %shift_left3A_293 = arith.shli %get3A_290, %shift_left3A_292 : vector<16xi32>
        %bitcast_convert_type3A_294 = tpu.bitcast %shift_left3A_293 : vector<16xi32> -> vector<16xf32>
        %and3A_295 = arith.constant -65536 : i32
        %and3A_296 = vector.broadcast %and3A_295 : i32 to vector<16xi32>
        %and3A_297 = arith.andi %get3A_290, %and3A_296 : vector<16xi32>
        %bitcast_convert_type3A_298 = tpu.bitcast %and3A_297 : vector<16xi32> -> vector<16xf32>
        %add3A_299 = arith.addf %add3A_263, %bitcast_convert_type3A_294 : vector<16xf32>
        %add3A_300 = arith.addf %add3A_264, %bitcast_convert_type3A_298 : vector<16xf32>
        %mul3A_301 = arith.constant 4 : i32
        %mul3A_302 = arith.muli %scan3A_228, %mul3A_301 : i32
        %add3A_303 = arith.constant 2 : i32
        %add3A_304 = arith.addi %mul3A_302, %add3A_303 : i32
        %get3A_305 = arith.constant 0 : i32
        %get3A_306 = arith.index_cast %get3A_305 : i32 to index
        %get3A_307 = arith.index_cast %add3A_304 : i32 to index
        %get3A_308 = arith.constant 0 : index
        %get3A_309 = tpu.vector_load %arg6[%get3A_306, %get3A_307, %get3A_308] {strides = array<i32>} : memref<4x100x32xi32, #tpu.memory_space<vmem>>, vector<1x1x16xi32>,
        %get3A_310 = vector.shape_cast %get3A_309 : vector<1x1x16xi32> to vector<16xi32>
        %shift_left3A_311 = arith.constant 16 : i32
        %shift_left3A_312 = vector.broadcast %shift_left3A_311 : i32 to vector<16xi32>
        %shift_left3A_313 = arith.shli %get3A_310, %shift_left3A_312 : vector<16xi32>
        %bitcast_convert_type3A_314 = tpu.bitcast %shift_left3A_313 : vector<16xi32> -> vector<16xf32>
        %and3A_315 = arith.constant -65536 : i32
        %and3A_316 = vector.broadcast %and3A_315 : i32 to vector<16xi32>
        %and3A_317 = arith.andi %get3A_310, %and3A_316 : vector<16xi32>
        %bitcast_convert_type3A_318 = tpu.bitcast %and3A_317 : vector<16xi32> -> vector<16xf32>
        %add3A_319 = arith.addf %add3A_283, %bitcast_convert_type3A_314 : vector<16xf32>
        %add3A_320 = arith.addf %add3A_284, %bitcast_convert_type3A_318 : vector<16xf32>
        %get3A_321 = arith.constant 0 : i32
        %get3A_322 = arith.index_cast %get3A_321 : i32 to index
        %get3A_323 = arith.index_cast %add3A_304 : i32 to index
        %get3A_324 = arith.constant 16 : index
        %get3A_325 = tpu.vector_load %arg6[%get3A_322, %get3A_323, %get3A_324] {strides = array<i32>} : memref<4x100x32xi32, #tpu.memory_space<vmem>>, vector<1x1x16xi32>,
        %get3A_326 = vector.shape_cast %get3A_325 : vector<1x1x16xi32> to vector<16xi32>
        %shift_left3A_327 = arith.constant 16 : i32
        %shift_left3A_328 = vector.broadcast %shift_left3A_327 : i32 to vector<16xi32>
        %shift_left3A_329 = arith.shli %get3A_326, %shift_left3A_328 : vector<16xi32>
        %bitcast_convert_type3A_330 = tpu.bitcast %shift_left3A_329 : vector<16xi32> -> vector<16xf32>
        %and3A_331 = arith.constant -65536 : i32
        %and3A_332 = vector.broadcast %and3A_331 : i32 to vector<16xi32>
        %and3A_333 = arith.andi %get3A_326, %and3A_332 : vector<16xi32>
        %bitcast_convert_type3A_334 = tpu.bitcast %and3A_333 : vector<16xi32> -> vector<16xf32>
        %add3A_335 = arith.addf %add3A_299, %bitcast_convert_type3A_330 : vector<16xf32>
        %add3A_336 = arith.addf %add3A_300, %bitcast_convert_type3A_334 : vector<16xf32>
        %mul3A_337 = arith.constant 4 : i32
        %mul3A_338 = arith.muli %scan3A_228, %mul3A_337 : i32
        %add3A_339 = arith.constant 3 : i32
        %add3A_340 = arith.addi %mul3A_338, %add3A_339 : i32
        %get3A_341 = arith.constant 0 : i32
        %get3A_342 = arith.index_cast %get3A_341 : i32 to index
        %get3A_343 = arith.index_cast %add3A_340 : i32 to index
        %get3A_344 = arith.constant 0 : index
        %get3A_345 = tpu.vector_load %arg6[%get3A_342, %get3A_343, %get3A_344] {strides = array<i32>} : memref<4x100x32xi32, #tpu.memory_space<vmem>>, vector<1x1x16xi32>,
        %get3A_346 = vector.shape_cast %get3A_345 : vector<1x1x16xi32> to vector<16xi32>
        %shift_left3A_347 = arith.constant 16 : i32
        %shift_left3A_348 = vector.broadcast %shift_left3A_347 : i32 to vector<16xi32>
        %shift_left3A_349 = arith.shli %get3A_346, %shift_left3A_348 : vector<16xi32>
        %bitcast_convert_type3A_350 = tpu.bitcast %shift_left3A_349 : vector<16xi32> -> vector<16xf32>
        %and3A_351 = arith.constant -65536 : i32
        %and3A_352 = vector.broadcast %and3A_351 : i32 to vector<16xi32>
        %and3A_353 = arith.andi %get3A_346, %and3A_352 : vector<16xi32>
        %bitcast_convert_type3A_354 = tpu.bitcast %and3A_353 : vector<16xi32> -> vector<16xf32>
        %add3A_355 = arith.addf %add3A_319, %bitcast_convert_type3A_350 : vector<16xf32>
        %add3A_356 = arith.addf %add3A_320, %bitcast_convert_type3A_354 : vector<16xf32>
        %get3A_357 = arith.constant 0 : i32
        %get3A_358 = arith.index_cast %get3A_357 : i32 to index
        %get3A_359 = arith.index_cast %add3A_340 : i32 to index
        %get3A_360 = arith.constant 16 : index
        %get3A_361 = tpu.vector_load %arg6[%get3A_358, %get3A_359, %get3A_360] {strides = array<i32>} : memref<4x100x32xi32, #tpu.memory_space<vmem>>, vector<1x1x16xi32>,
        %get3A_362 = vector.shape_cast %get3A_361 : vector<1x1x16xi32> to vector<16xi32>
        %shift_left3A_363 = arith.constant 16 : i32
        %shift_left3A_364 = vector.broadcast %shift_left3A_363 : i32 to vector<16xi32>
        %shift_left3A_365 = arith.shli %get3A_362, %shift_left3A_364 : vector<16xi32>
        %bitcast_convert_type3A_366 = tpu.bitcast %shift_left3A_365 : vector<16xi32> -> vector<16xf32>
        %and3A_367 = arith.constant -65536 : i32
        %and3A_368 = vector.broadcast %and3A_367 : i32 to vector<16xi32>
        %and3A_369 = arith.andi %get3A_362, %and3A_368 : vector<16xi32>
        %bitcast_convert_type3A_370 = tpu.bitcast %and3A_369 : vector<16xi32> -> vector<16xf32>
        %add3A_371 = arith.addf %add3A_335, %bitcast_convert_type3A_366 : vector<16xf32>
        %add3A_372 = arith.addf %add3A_336, %bitcast_convert_type3A_370 : vector<16xf32>
        scf.yield %add3A_355, %add3A_371, %add3A_356, %add3A_372 : vector<16xf32>, vector<16xf32>, vector<16xf32>, vector<16xf32>
      }
      %scan3A_88 = arith.constant 25 : i32
      %add3A_89 = arith.constant 4 : i32
      %add3A_90 = arith.addi %add3A_72, %add3A_89 : i32
      %lt3A = arith.constant 256 : i32
      %lt3A_91 = arith.cmpi slt, %add3A_90, %lt3A : i32
      %convert_element_type3A = arith.extui %lt3A_91 : i1 to i32
      %cond3A = arith.constant 0 : i32
      %cond3A_92 = arith.cmpi ne, %convert_element_type3A, %cond3A : i32
      scf.if %cond3A_92 {
        %add3A_228 = arith.constant 4 : i32
        %add3A_229 = arith.addi %add3A_72, %add3A_228 : i32
        %dma_start3A_230 = arith.constant 0 : i32
        %dma_start3A_231 = arith.constant 0 : i32
        %dma_start3A_232 = arith.constant 0 : i32
        %dma_start3A_233 = tpu.memref_slice %arg6[%dma_start3A_230, %dma_start3A_231, %dma_start3A_232] : memref<4x100x32xi32, #tpu.memory_space<vmem>> -> memref<1x100x32xi32, #tpu.memory_space<vmem>>
        %dma_start3A_234 = tpu.memref_squeeze %dma_start3A_233 : memref<1x100x32xi32, #tpu.memory_space<vmem>> -> memref<100x32xi32, #tpu.memory_space<vmem>>
        %dma_start3A_235 = arith.constant 0 : i32
        %dma_start3A_236 = tpu.memref_slice %arg5[%add3A_229, %dma_start3A_235] : memref<256x100xi32, #tpu.memory_space<vmem>> -> memref<1x100xi32, #tpu.memory_space<vmem>>
        %dma_start3A_237 = tpu.memref_squeeze %dma_start3A_236 : memref<1x100xi32, #tpu.memory_space<vmem>> -> memref<100xi32, #tpu.memory_space<vmem>>
        %dma_start3A_238 = arith.constant 0 : i32
        %dma_start3A_239 = arith.constant 0 : i32
        %dma_start3A_240 = tpu.memref_slice %arg3[%dma_start3A_238, %dma_start3A_239] : memref<1015808x32xi32, #tpu.memory_space<hbm>> -> memref<1015808x32xi32, #tpu.memory_space<hbm>>
        tpu.enqueue_indirect_dma source(%dma_start3A_240 : memref<1015808x32xi32, #tpu.memory_space<hbm>>) target(%dma_start3A_234 : memref<100x32xi32, #tpu.memory_space<vmem>>) offsets(%dma_start3A_237 : memref<100xi32, #tpu.memory_space<vmem>>) semaphore(%arg8 : memref<!tpu.dma_semaphore, #tpu.memory_space<semaphore_mem>>)
      } else {
      }
      %mul3A_93 = arith.constant 4 : i32
      %mul3A_94 = arith.muli %mul3A_93, %scan3A_57 : i32
      %add3A_95 = arith.constant 1 : i32
      %add3A_96 = arith.addi %mul3A_94, %add3A_95 : i32
      %dma_wait3A_97 = arith.constant 1 : i32
      %dma_wait3A_98 = arith.constant 0 : i32
      %dma_wait3A_99 = arith.constant 0 : i32
      %dma_wait3A_100 = tpu.memref_slice %arg6[%dma_wait3A_97, %dma_wait3A_98, %dma_wait3A_99] : memref<4x100x32xi32, #tpu.memory_space<vmem>> -> memref<1x100x32xi32, #tpu.memory_space<vmem>>
      %dma_wait3A_101 = tpu.memref_squeeze %dma_wait3A_100 : memref<1x100x32xi32, #tpu.memory_space<vmem>> -> memref<100x32xi32, #tpu.memory_space<vmem>>
      %dma_wait3A_102 = arith.constant 0 : i32
      %dma_wait3A_103 = tpu.memref_slice %arg5[%add3A_96, %dma_wait3A_102] : memref<256x100xi32, #tpu.memory_space<vmem>> -> memref<1x100xi32, #tpu.memory_space<vmem>>
      %dma_wait3A_104 = tpu.memref_squeeze %dma_wait3A_103 : memref<1x100xi32, #tpu.memory_space<vmem>> -> memref<100xi32, #tpu.memory_space<vmem>>
      %dma_wait3A_105 = arith.constant 0 : i32
      %dma_wait3A_106 = arith.constant 0 : i32
      %dma_wait3A_107 = tpu.memref_slice %arg3[%dma_wait3A_105, %dma_wait3A_106] : memref<1015808x32xi32, #tpu.memory_space<hbm>> -> memref<1015808x32xi32, #tpu.memory_space<hbm>>
      tpu.wait_indirect_dma semaphore(%arg9 : memref<!tpu.dma_semaphore, #tpu.memory_space<semaphore_mem>>) src(%dma_wait3A_107 : memref<1015808x32xi32, #tpu.memory_space<hbm>>) dst(%dma_wait3A_101 : memref<100x32xi32, #tpu.memory_space<vmem>>)
      %scan3A_108 = arith.constant 0 : i32
      %scan3A_109 = arith.constant 25 : i32
      %scan3A_110 = arith.addi %scan3A_108, %scan3A_109 : i32
      %scan3A_111 = arith.constant 1 : i32
      %scan3A_112:4 = scf.for %scan3A_228 = %scan3A_108 to %scan3A_110 step %scan3A_111 iter_args(%scan3A_229 = %scan3A_87#0, %scan3A_230 = %scan3A_87#1, %scan3A_231 = %scan3A_87#2, %scan3A_232 = %scan3A_87#3) -> (vector<16xf32>, vector<16xf32>, vector<16xf32>, vector<16xf32>)  : i32 {
        %mul3A_233 = arith.constant 4 : i32
        %mul3A_234 = arith.muli %scan3A_228, %mul3A_233 : i32
        %add3A_235 = arith.constant 0 : i32
        %add3A_236 = arith.addi %mul3A_234, %add3A_235 : i32
        %get3A = arith.constant 1 : i32
        %get3A_237 = arith.index_cast %get3A : i32 to index
        %get3A_238 = arith.index_cast %add3A_236 : i32 to index
        %get3A_239 = arith.constant 0 : index
        %get3A_240 = tpu.vector_load %arg6[%get3A_237, %get3A_238, %get3A_239] {strides = array<i32>} : memref<4x100x32xi32, #tpu.memory_space<vmem>>, vector<1x1x16xi32>,
        %get3A_241 = vector.shape_cast %get3A_240 : vector<1x1x16xi32> to vector<16xi32>
        %shift_left3A = arith.constant 16 : i32
        %shift_left3A_242 = vector.broadcast %shift_left3A : i32 to vector<16xi32>
        %shift_left3A_243 = arith.shli %get3A_241, %shift_left3A_242 : vector<16xi32>
        %bitcast_convert_type3A = tpu.bitcast %shift_left3A_243 : vector<16xi32> -> vector<16xf32>
        %and3A = arith.constant -65536 : i32
        %and3A_244 = vector.broadcast %and3A : i32 to vector<16xi32>
        %and3A_245 = arith.andi %get3A_241, %and3A_244 : vector<16xi32>
        %bitcast_convert_type3A_246 = tpu.bitcast %and3A_245 : vector<16xi32> -> vector<16xf32>
        %add3A_247 = arith.addf %scan3A_229, %bitcast_convert_type3A : vector<16xf32>
        %add3A_248 = arith.addf %scan3A_231, %bitcast_convert_type3A_246 : vector<16xf32>
        %get3A_249 = arith.constant 1 : i32
        %get3A_250 = arith.index_cast %get3A_249 : i32 to index
        %get3A_251 = arith.index_cast %add3A_236 : i32 to index
        %get3A_252 = arith.constant 16 : index
        %get3A_253 = tpu.vector_load %arg6[%get3A_250, %get3A_251, %get3A_252] {strides = array<i32>} : memref<4x100x32xi32, #tpu.memory_space<vmem>>, vector<1x1x16xi32>,
        %get3A_254 = vector.shape_cast %get3A_253 : vector<1x1x16xi32> to vector<16xi32>
        %shift_left3A_255 = arith.constant 16 : i32
        %shift_left3A_256 = vector.broadcast %shift_left3A_255 : i32 to vector<16xi32>
        %shift_left3A_257 = arith.shli %get3A_254, %shift_left3A_256 : vector<16xi32>
        %bitcast_convert_type3A_258 = tpu.bitcast %shift_left3A_257 : vector<16xi32> -> vector<16xf32>
        %and3A_259 = arith.constant -65536 : i32
        %and3A_260 = vector.broadcast %and3A_259 : i32 to vector<16xi32>
        %and3A_261 = arith.andi %get3A_254, %and3A_260 : vector<16xi32>
        %bitcast_convert_type3A_262 = tpu.bitcast %and3A_261 : vector<16xi32> -> vector<16xf32>
        %add3A_263 = arith.addf %scan3A_230, %bitcast_convert_type3A_258 : vector<16xf32>
        %add3A_264 = arith.addf %scan3A_232, %bitcast_convert_type3A_262 : vector<16xf32>
        %mul3A_265 = arith.constant 4 : i32
        %mul3A_266 = arith.muli %scan3A_228, %mul3A_265 : i32
        %add3A_267 = arith.constant 1 : i32
        %add3A_268 = arith.addi %mul3A_266, %add3A_267 : i32
        %get3A_269 = arith.constant 1 : i32
        %get3A_270 = arith.index_cast %get3A_269 : i32 to index
        %get3A_271 = arith.index_cast %add3A_268 : i32 to index
        %get3A_272 = arith.constant 0 : index
        %get3A_273 = tpu.vector_load %arg6[%get3A_270, %get3A_271, %get3A_272] {strides = array<i32>} : memref<4x100x32xi32, #tpu.memory_space<vmem>>, vector<1x1x16xi32>,
        %get3A_274 = vector.shape_cast %get3A_273 : vector<1x1x16xi32> to vector<16xi32>
        %shift_left3A_275 = arith.constant 16 : i32
        %shift_left3A_276 = vector.broadcast %shift_left3A_275 : i32 to vector<16xi32>
        %shift_left3A_277 = arith.shli %get3A_274, %shift_left3A_276 : vector<16xi32>
        %bitcast_convert_type3A_278 = tpu.bitcast %shift_left3A_277 : vector<16xi32> -> vector<16xf32>
        %and3A_279 = arith.constant -65536 : i32
        %and3A_280 = vector.broadcast %and3A_279 : i32 to vector<16xi32>
        %and3A_281 = arith.andi %get3A_274, %and3A_280 : vector<16xi32>
        %bitcast_convert_type3A_282 = tpu.bitcast %and3A_281 : vector<16xi32> -> vector<16xf32>
        %add3A_283 = arith.addf %add3A_247, %bitcast_convert_type3A_278 : vector<16xf32>
        %add3A_284 = arith.addf %add3A_248, %bitcast_convert_type3A_282 : vector<16xf32>
        %get3A_285 = arith.constant 1 : i32
        %get3A_286 = arith.index_cast %get3A_285 : i32 to index
        %get3A_287 = arith.index_cast %add3A_268 : i32 to index
        %get3A_288 = arith.constant 16 : index
        %get3A_289 = tpu.vector_load %arg6[%get3A_286, %get3A_287, %get3A_288] {strides = array<i32>} : memref<4x100x32xi32, #tpu.memory_space<vmem>>, vector<1x1x16xi32>,
        %get3A_290 = vector.shape_cast %get3A_289 : vector<1x1x16xi32> to vector<16xi32>
        %shift_left3A_291 = arith.constant 16 : i32
        %shift_left3A_292 = vector.broadcast %shift_left3A_291 : i32 to vector<16xi32>
        %shift_left3A_293 = arith.shli %get3A_290, %shift_left3A_292 : vector<16xi32>
        %bitcast_convert_type3A_294 = tpu.bitcast %shift_left3A_293 : vector<16xi32> -> vector<16xf32>
        %and3A_295 = arith.constant -65536 : i32
        %and3A_296 = vector.broadcast %and3A_295 : i32 to vector<16xi32>
        %and3A_297 = arith.andi %get3A_290, %and3A_296 : vector<16xi32>
        %bitcast_convert_type3A_298 = tpu.bitcast %and3A_297 : vector<16xi32> -> vector<16xf32>
        %add3A_299 = arith.addf %add3A_263, %bitcast_convert_type3A_294 : vector<16xf32>
        %add3A_300 = arith.addf %add3A_264, %bitcast_convert_type3A_298 : vector<16xf32>
        %mul3A_301 = arith.constant 4 : i32
        %mul3A_302 = arith.muli %scan3A_228, %mul3A_301 : i32
        %add3A_303 = arith.constant 2 : i32
        %add3A_304 = arith.addi %mul3A_302, %add3A_303 : i32
        %get3A_305 = arith.constant 1 : i32
        %get3A_306 = arith.index_cast %get3A_305 : i32 to index
        %get3A_307 = arith.index_cast %add3A_304 : i32 to index
        %get3A_308 = arith.constant 0 : index
        %get3A_309 = tpu.vector_load %arg6[%get3A_306, %get3A_307, %get3A_308] {strides = array<i32>} : memref<4x100x32xi32, #tpu.memory_space<vmem>>, vector<1x1x16xi32>,
        %get3A_310 = vector.shape_cast %get3A_309 : vector<1x1x16xi32> to vector<16xi32>
        %shift_left3A_311 = arith.constant 16 : i32
        %shift_left3A_312 = vector.broadcast %shift_left3A_311 : i32 to vector<16xi32>
        %shift_left3A_313 = arith.shli %get3A_310, %shift_left3A_312 : vector<16xi32>
        %bitcast_convert_type3A_314 = tpu.bitcast %shift_left3A_313 : vector<16xi32> -> vector<16xf32>
        %and3A_315 = arith.constant -65536 : i32
        %and3A_316 = vector.broadcast %and3A_315 : i32 to vector<16xi32>
        %and3A_317 = arith.andi %get3A_310, %and3A_316 : vector<16xi32>
        %bitcast_convert_type3A_318 = tpu.bitcast %and3A_317 : vector<16xi32> -> vector<16xf32>
        %add3A_319 = arith.addf %add3A_283, %bitcast_convert_type3A_314 : vector<16xf32>
        %add3A_320 = arith.addf %add3A_284, %bitcast_convert_type3A_318 : vector<16xf32>
        %get3A_321 = arith.constant 1 : i32
        %get3A_322 = arith.index_cast %get3A_321 : i32 to index
        %get3A_323 = arith.index_cast %add3A_304 : i32 to index
        %get3A_324 = arith.constant 16 : index
        %get3A_325 = tpu.vector_load %arg6[%get3A_322, %get3A_323, %get3A_324] {strides = array<i32>} : memref<4x100x32xi32, #tpu.memory_space<vmem>>, vector<1x1x16xi32>,
        %get3A_326 = vector.shape_cast %get3A_325 : vector<1x1x16xi32> to vector<16xi32>
        %shift_left3A_327 = arith.constant 16 : i32
        %shift_left3A_328 = vector.broadcast %shift_left3A_327 : i32 to vector<16xi32>
        %shift_left3A_329 = arith.shli %get3A_326, %shift_left3A_328 : vector<16xi32>
        %bitcast_convert_type3A_330 = tpu.bitcast %shift_left3A_329 : vector<16xi32> -> vector<16xf32>
        %and3A_331 = arith.constant -65536 : i32
        %and3A_332 = vector.broadcast %and3A_331 : i32 to vector<16xi32>
        %and3A_333 = arith.andi %get3A_326, %and3A_332 : vector<16xi32>
        %bitcast_convert_type3A_334 = tpu.bitcast %and3A_333 : vector<16xi32> -> vector<16xf32>
        %add3A_335 = arith.addf %add3A_299, %bitcast_convert_type3A_330 : vector<16xf32>
        %add3A_336 = arith.addf %add3A_300, %bitcast_convert_type3A_334 : vector<16xf32>
        %mul3A_337 = arith.constant 4 : i32
        %mul3A_338 = arith.muli %scan3A_228, %mul3A_337 : i32
        %add3A_339 = arith.constant 3 : i32
        %add3A_340 = arith.addi %mul3A_338, %add3A_339 : i32
        %get3A_341 = arith.constant 1 : i32
        %get3A_342 = arith.index_cast %get3A_341 : i32 to index
        %get3A_343 = arith.index_cast %add3A_340 : i32 to index
        %get3A_344 = arith.constant 0 : index
        %get3A_345 = tpu.vector_load %arg6[%get3A_342, %get3A_343, %get3A_344] {strides = array<i32>} : memref<4x100x32xi32, #tpu.memory_space<vmem>>, vector<1x1x16xi32>,
        %get3A_346 = vector.shape_cast %get3A_345 : vector<1x1x16xi32> to vector<16xi32>
        %shift_left3A_347 = arith.constant 16 : i32
        %shift_left3A_348 = vector.broadcast %shift_left3A_347 : i32 to vector<16xi32>
        %shift_left3A_349 = arith.shli %get3A_346, %shift_left3A_348 : vector<16xi32>
        %bitcast_convert_type3A_350 = tpu.bitcast %shift_left3A_349 : vector<16xi32> -> vector<16xf32>
        %and3A_351 = arith.constant -65536 : i32
        %and3A_352 = vector.broadcast %and3A_351 : i32 to vector<16xi32>
        %and3A_353 = arith.andi %get3A_346, %and3A_352 : vector<16xi32>
        %bitcast_convert_type3A_354 = tpu.bitcast %and3A_353 : vector<16xi32> -> vector<16xf32>
        %add3A_355 = arith.addf %add3A_319, %bitcast_convert_type3A_350 : vector<16xf32>
        %add3A_356 = arith.addf %add3A_320, %bitcast_convert_type3A_354 : vector<16xf32>
        %get3A_357 = arith.constant 1 : i32
        %get3A_358 = arith.index_cast %get3A_357 : i32 to index
        %get3A_359 = arith.index_cast %add3A_340 : i32 to index
        %get3A_360 = arith.constant 16 : index
        %get3A_361 = tpu.vector_load %arg6[%get3A_358, %get3A_359, %get3A_360] {strides = array<i32>} : memref<4x100x32xi32, #tpu.memory_space<vmem>>, vector<1x1x16xi32>,
        %get3A_362 = vector.shape_cast %get3A_361 : vector<1x1x16xi32> to vector<16xi32>
        %shift_left3A_363 = arith.constant 16 : i32
        %shift_left3A_364 = vector.broadcast %shift_left3A_363 : i32 to vector<16xi32>
        %shift_left3A_365 = arith.shli %get3A_362, %shift_left3A_364 : vector<16xi32>
        %bitcast_convert_type3A_366 = tpu.bitcast %shift_left3A_365 : vector<16xi32> -> vector<16xf32>
        %and3A_367 = arith.constant -65536 : i32
        %and3A_368 = vector.broadcast %and3A_367 : i32 to vector<16xi32>
        %and3A_369 = arith.andi %get3A_362, %and3A_368 : vector<16xi32>
        %bitcast_convert_type3A_370 = tpu.bitcast %and3A_369 : vector<16xi32> -> vector<16xf32>
        %add3A_371 = arith.addf %add3A_335, %bitcast_convert_type3A_366 : vector<16xf32>
        %add3A_372 = arith.addf %add3A_336, %bitcast_convert_type3A_370 : vector<16xf32>
        scf.yield %add3A_355, %add3A_371, %add3A_356, %add3A_372 : vector<16xf32>, vector<16xf32>, vector<16xf32>, vector<16xf32>
      }
      %scan3A_113 = arith.constant 25 : i32
      %add3A_114 = arith.constant 4 : i32
      %add3A_115 = arith.addi %add3A_96, %add3A_114 : i32
      %lt3A_116 = arith.constant 256 : i32
      %lt3A_117 = arith.cmpi slt, %add3A_115, %lt3A_116 : i32
      %convert_element_type3A_118 = arith.extui %lt3A_117 : i1 to i32
      %cond3A_119 = arith.constant 0 : i32
      %cond3A_120 = arith.cmpi ne, %convert_element_type3A_118, %cond3A_119 : i32
      scf.if %cond3A_120 {
        %add3A_228 = arith.constant 4 : i32
        %add3A_229 = arith.addi %add3A_96, %add3A_228 : i32
        %dma_start3A_230 = arith.constant 1 : i32
        %dma_start3A_231 = arith.constant 0 : i32
        %dma_start3A_232 = arith.constant 0 : i32
        %dma_start3A_233 = tpu.memref_slice %arg6[%dma_start3A_230, %dma_start3A_231, %dma_start3A_232] : memref<4x100x32xi32, #tpu.memory_space<vmem>> -> memref<1x100x32xi32, #tpu.memory_space<vmem>>
        %dma_start3A_234 = tpu.memref_squeeze %dma_start3A_233 : memref<1x100x32xi32, #tpu.memory_space<vmem>> -> memref<100x32xi32, #tpu.memory_space<vmem>>
        %dma_start3A_235 = arith.constant 0 : i32
        %dma_start3A_236 = tpu.memref_slice %arg5[%add3A_229, %dma_start3A_235] : memref<256x100xi32, #tpu.memory_space<vmem>> -> memref<1x100xi32, #tpu.memory_space<vmem>>
        %dma_start3A_237 = tpu.memref_squeeze %dma_start3A_236 : memref<1x100xi32, #tpu.memory_space<vmem>> -> memref<100xi32, #tpu.memory_space<vmem>>
        %dma_start3A_238 = arith.constant 0 : i32
        %dma_start3A_239 = arith.constant 0 : i32
        %dma_start3A_240 = tpu.memref_slice %arg3[%dma_start3A_238, %dma_start3A_239] : memref<1015808x32xi32, #tpu.memory_space<hbm>> -> memref<1015808x32xi32, #tpu.memory_space<hbm>>
        tpu.enqueue_indirect_dma source(%dma_start3A_240 : memref<1015808x32xi32, #tpu.memory_space<hbm>>) target(%dma_start3A_234 : memref<100x32xi32, #tpu.memory_space<vmem>>) offsets(%dma_start3A_237 : memref<100xi32, #tpu.memory_space<vmem>>) semaphore(%arg9 : memref<!tpu.dma_semaphore, #tpu.memory_space<semaphore_mem>>)
      } else {
      }
      %swap3A = arith.index_cast %add3A_61 : i32 to index
      %swap3A_121 = arith.constant 0 : index
      %swap3A_122 = tpu.vector_load %arg7[%swap3A, %swap3A_121] {strides = array<i32>} : memref<128x64xf32, #tpu.memory_space<vmem>>, vector<1x16xf32>,
      %swap3A_123 = vector.shape_cast %swap3A_122 : vector<1x16xf32> to vector<16xf32>
      %swap3A_124 = vector.shape_cast %scan3A_112#0 : vector<16xf32> to vector<1x16xf32>
      tpu.vector_store %arg7[%swap3A, %swap3A_121], %swap3A_124 {strides = array<i32>} : memref<128x64xf32, #tpu.memory_space<vmem>>, vector<1x16xf32>,
      %swap3A_125 = arith.index_cast %add3A_61 : i32 to index
      %swap3A_126 = arith.constant 16 : index
      %swap3A_127 = tpu.vector_load %arg7[%swap3A_125, %swap3A_126] {strides = array<i32>} : memref<128x64xf32, #tpu.memory_space<vmem>>, vector<1x16xf32>,
      %swap3A_128 = vector.shape_cast %swap3A_127 : vector<1x16xf32> to vector<16xf32>
      %swap3A_129 = vector.shape_cast %scan3A_112#1 : vector<16xf32> to vector<1x16xf32>
      tpu.vector_store %arg7[%swap3A_125, %swap3A_126], %swap3A_129 {strides = array<i32>} : memref<128x64xf32, #tpu.memory_space<vmem>>, vector<1x16xf32>,
      %swap3A_130 = arith.index_cast %add3A_61 : i32 to index
      %swap3A_131 = arith.constant 32 : index
      %swap3A_132 = tpu.vector_load %arg7[%swap3A_130, %swap3A_131] {strides = array<i32>} : memref<128x64xf32, #tpu.memory_space<vmem>>, vector<1x16xf32>,
      %swap3A_133 = vector.shape_cast %swap3A_132 : vector<1x16xf32> to vector<16xf32>
      %swap3A_134 = vector.shape_cast %scan3A_112#2 : vector<16xf32> to vector<1x16xf32>
      tpu.vector_store %arg7[%swap3A_130, %swap3A_131], %swap3A_134 {strides = array<i32>} : memref<128x64xf32, #tpu.memory_space<vmem>>, vector<1x16xf32>,
      %swap3A_135 = arith.index_cast %add3A_61 : i32 to index
      %swap3A_136 = arith.constant 48 : index
      %swap3A_137 = tpu.vector_load %arg7[%swap3A_135, %swap3A_136] {strides = array<i32>} : memref<128x64xf32, #tpu.memory_space<vmem>>, vector<1x16xf32>,
      %swap3A_138 = vector.shape_cast %swap3A_137 : vector<1x16xf32> to vector<16xf32>
      %swap3A_139 = vector.shape_cast %scan3A_112#3 : vector<16xf32> to vector<1x16xf32>
      tpu.vector_store %arg7[%swap3A_135, %swap3A_136], %swap3A_139 {strides = array<i32>} : memref<128x64xf32, #tpu.memory_space<vmem>>, vector<1x16xf32>,
      %mul3A_140 = arith.constant 2 : i32
      %mul3A_141 = arith.muli %mul3A_140, %scan3A_57 : i32
      %add3A_142 = arith.constant 1 : i32
      %add3A_143 = arith.addi %mul3A_141, %add3A_142 : i32
      %broadcast_in_dim3A_144 = arith.constant 0.000000e+00 : f32
      %broadcast_in_dim3A_145 = vector.broadcast %broadcast_in_dim3A_144 : f32 to vector<16xf32>
      %broadcast_in_dim3A_146 = arith.constant 0.000000e+00 : f32
      %broadcast_in_dim3A_147 = vector.broadcast %broadcast_in_dim3A_146 : f32 to vector<16xf32>
      %broadcast_in_dim3A_148 = arith.constant 0.000000e+00 : f32
      %broadcast_in_dim3A_149 = vector.broadcast %broadcast_in_dim3A_148 : f32 to vector<16xf32>
      %broadcast_in_dim3A_150 = arith.constant 0.000000e+00 : f32
      %broadcast_in_dim3A_151 = vector.broadcast %broadcast_in_dim3A_150 : f32 to vector<16xf32>
      %mul3A_152 = arith.constant 4 : i32
      %mul3A_153 = arith.muli %mul3A_152, %scan3A_57 : i32
      %add3A_154 = arith.constant 2 : i32
      %add3A_155 = arith.addi %mul3A_153, %add3A_154 : i32
      %dma_wait3A_156 = arith.constant 2 : i32
      %dma_wait3A_157 = arith.constant 0 : i32
      %dma_wait3A_158 = arith.constant 0 : i32
      %dma_wait3A_159 = tpu.memref_slice %arg6[%dma_wait3A_156, %dma_wait3A_157, %dma_wait3A_158] : memref<4x100x32xi32, #tpu.memory_space<vmem>> -> memref<1x100x32xi32, #tpu.memory_space<vmem>>
      %dma_wait3A_160 = tpu.memref_squeeze %dma_wait3A_159 : memref<1x100x32xi32, #tpu.memory_space<vmem>> -> memref<100x32xi32, #tpu.memory_space<vmem>>
      %dma_wait3A_161 = arith.constant 0 : i32
      %dma_wait3A_162 = tpu.memref_slice %arg5[%add3A_155, %dma_wait3A_161] : memref<256x100xi32, #tpu.memory_space<vmem>> -> memref<1x100xi32, #tpu.memory_space<vmem>>
      %dma_wait3A_163 = tpu.memref_squeeze %dma_wait3A_162 : memref<1x100xi32, #tpu.memory_space<vmem>> -> memref<100xi32, #tpu.memory_space<vmem>>
      %dma_wait3A_164 = arith.constant 0 : i32
      %dma_wait3A_165 = arith.constant 0 : i32
      %dma_wait3A_166 = tpu.memref_slice %arg3[%dma_wait3A_164, %dma_wait3A_165] : memref<1015808x32xi32, #tpu.memory_space<hbm>> -> memref<1015808x32xi32, #tpu.memory_space<hbm>>
      tpu.wait_indirect_dma semaphore(%arg10 : memref<!tpu.dma_semaphore, #tpu.memory_space<semaphore_mem>>) src(%dma_wait3A_166 : memref<1015808x32xi32, #tpu.memory_space<hbm>>) dst(%dma_wait3A_160 : memref<100x32xi32, #tpu.memory_space<vmem>>)
      %scan3A_167 = arith.constant 0 : i32
      %scan3A_168 = arith.constant 25 : i32
      %scan3A_169 = arith.addi %scan3A_167, %scan3A_168 : i32
      %scan3A_170 = arith.constant 1 : i32
      %scan3A_171:4 = scf.for %scan3A_228 = %scan3A_167 to %scan3A_169 step %scan3A_170 iter_args(%scan3A_229 = %broadcast_in_dim3A_145, %scan3A_230 = %broadcast_in_dim3A_147, %scan3A_231 = %broadcast_in_dim3A_149, %scan3A_232 = %broadcast_in_dim3A_151) -> (vector<16xf32>, vector<16xf32>, vector<16xf32>, vector<16xf32>)  : i32 {
        %mul3A_233 = arith.constant 4 : i32
        %mul3A_234 = arith.muli %scan3A_228, %mul3A_233 : i32
        %add3A_235 = arith.constant 0 : i32
        %add3A_236 = arith.addi %mul3A_234, %add3A_235 : i32
        %get3A = arith.constant 2 : i32
        %get3A_237 = arith.index_cast %get3A : i32 to index
        %get3A_238 = arith.index_cast %add3A_236 : i32 to index
        %get3A_239 = arith.constant 0 : index
        %get3A_240 = tpu.vector_load %arg6[%get3A_237, %get3A_238, %get3A_239] {strides = array<i32>} : memref<4x100x32xi32, #tpu.memory_space<vmem>>, vector<1x1x16xi32>,
        %get3A_241 = vector.shape_cast %get3A_240 : vector<1x1x16xi32> to vector<16xi32>
        %shift_left3A = arith.constant 16 : i32
        %shift_left3A_242 = vector.broadcast %shift_left3A : i32 to vector<16xi32>
        %shift_left3A_243 = arith.shli %get3A_241, %shift_left3A_242 : vector<16xi32>
        %bitcast_convert_type3A = tpu.bitcast %shift_left3A_243 : vector<16xi32> -> vector<16xf32>
        %and3A = arith.constant -65536 : i32
        %and3A_244 = vector.broadcast %and3A : i32 to vector<16xi32>
        %and3A_245 = arith.andi %get3A_241, %and3A_244 : vector<16xi32>
        %bitcast_convert_type3A_246 = tpu.bitcast %and3A_245 : vector<16xi32> -> vector<16xf32>
        %add3A_247 = arith.addf %scan3A_229, %bitcast_convert_type3A : vector<16xf32>
        %add3A_248 = arith.addf %scan3A_231, %bitcast_convert_type3A_246 : vector<16xf32>
        %get3A_249 = arith.constant 2 : i32
        %get3A_250 = arith.index_cast %get3A_249 : i32 to index
        %get3A_251 = arith.index_cast %add3A_236 : i32 to index
        %get3A_252 = arith.constant 16 : index
        %get3A_253 = tpu.vector_load %arg6[%get3A_250, %get3A_251, %get3A_252] {strides = array<i32>} : memref<4x100x32xi32, #tpu.memory_space<vmem>>, vector<1x1x16xi32>,
        %get3A_254 = vector.shape_cast %get3A_253 : vector<1x1x16xi32> to vector<16xi32>
        %shift_left3A_255 = arith.constant 16 : i32
        %shift_left3A_256 = vector.broadcast %shift_left3A_255 : i32 to vector<16xi32>
        %shift_left3A_257 = arith.shli %get3A_254, %shift_left3A_256 : vector<16xi32>
        %bitcast_convert_type3A_258 = tpu.bitcast %shift_left3A_257 : vector<16xi32> -> vector<16xf32>
        %and3A_259 = arith.constant -65536 : i32
        %and3A_260 = vector.broadcast %and3A_259 : i32 to vector<16xi32>
        %and3A_261 = arith.andi %get3A_254, %and3A_260 : vector<16xi32>
        %bitcast_convert_type3A_262 = tpu.bitcast %and3A_261 : vector<16xi32> -> vector<16xf32>
        %add3A_263 = arith.addf %scan3A_230, %bitcast_convert_type3A_258 : vector<16xf32>
        %add3A_264 = arith.addf %scan3A_232, %bitcast_convert_type3A_262 : vector<16xf32>
        %mul3A_265 = arith.constant 4 : i32
        %mul3A_266 = arith.muli %scan3A_228, %mul3A_265 : i32
        %add3A_267 = arith.constant 1 : i32
        %add3A_268 = arith.addi %mul3A_266, %add3A_267 : i32
        %get3A_269 = arith.constant 2 : i32
        %get3A_270 = arith.index_cast %get3A_269 : i32 to index
        %get3A_271 = arith.index_cast %add3A_268 : i32 to index
        %get3A_272 = arith.constant 0 : index
        %get3A_273 = tpu.vector_load %arg6[%get3A_270, %get3A_271, %get3A_272] {strides = array<i32>} : memref<4x100x32xi32, #tpu.memory_space<vmem>>, vector<1x1x16xi32>,
        %get3A_274 = vector.shape_cast %get3A_273 : vector<1x1x16xi32> to vector<16xi32>
        %shift_left3A_275 = arith.constant 16 : i32
        %shift_left3A_276 = vector.broadcast %shift_left3A_275 : i32 to vector<16xi32>
        %shift_left3A_277 = arith.shli %get3A_274, %shift_left3A_276 : vector<16xi32>
        %bitcast_convert_type3A_278 = tpu.bitcast %shift_left3A_277 : vector<16xi32> -> vector<16xf32>
        %and3A_279 = arith.constant -65536 : i32
        %and3A_280 = vector.broadcast %and3A_279 : i32 to vector<16xi32>
        %and3A_281 = arith.andi %get3A_274, %and3A_280 : vector<16xi32>
        %bitcast_convert_type3A_282 = tpu.bitcast %and3A_281 : vector<16xi32> -> vector<16xf32>
        %add3A_283 = arith.addf %add3A_247, %bitcast_convert_type3A_278 : vector<16xf32>
        %add3A_284 = arith.addf %add3A_248, %bitcast_convert_type3A_282 : vector<16xf32>
        %get3A_285 = arith.constant 2 : i32
        %get3A_286 = arith.index_cast %get3A_285 : i32 to index
        %get3A_287 = arith.index_cast %add3A_268 : i32 to index
        %get3A_288 = arith.constant 16 : index
        %get3A_289 = tpu.vector_load %arg6[%get3A_286, %get3A_287, %get3A_288] {strides = array<i32>} : memref<4x100x32xi32, #tpu.memory_space<vmem>>, vector<1x1x16xi32>,
        %get3A_290 = vector.shape_cast %get3A_289 : vector<1x1x16xi32> to vector<16xi32>
        %shift_left3A_291 = arith.constant 16 : i32
        %shift_left3A_292 = vector.broadcast %shift_left3A_291 : i32 to vector<16xi32>
        %shift_left3A_293 = arith.shli %get3A_290, %shift_left3A_292 : vector<16xi32>
        %bitcast_convert_type3A_294 = tpu.bitcast %shift_left3A_293 : vector<16xi32> -> vector<16xf32>
        %and3A_295 = arith.constant -65536 : i32
        %and3A_296 = vector.broadcast %and3A_295 : i32 to vector<16xi32>
        %and3A_297 = arith.andi %get3A_290, %and3A_296 : vector<16xi32>
        %bitcast_convert_type3A_298 = tpu.bitcast %and3A_297 : vector<16xi32> -> vector<16xf32>
        %add3A_299 = arith.addf %add3A_263, %bitcast_convert_type3A_294 : vector<16xf32>
        %add3A_300 = arith.addf %add3A_264, %bitcast_convert_type3A_298 : vector<16xf32>
        %mul3A_301 = arith.constant 4 : i32
        %mul3A_302 = arith.muli %scan3A_228, %mul3A_301 : i32
        %add3A_303 = arith.constant 2 : i32
        %add3A_304 = arith.addi %mul3A_302, %add3A_303 : i32
        %get3A_305 = arith.constant 2 : i32
        %get3A_306 = arith.index_cast %get3A_305 : i32 to index
        %get3A_307 = arith.index_cast %add3A_304 : i32 to index
        %get3A_308 = arith.constant 0 : index
        %get3A_309 = tpu.vector_load %arg6[%get3A_306, %get3A_307, %get3A_308] {strides = array<i32>} : memref<4x100x32xi32, #tpu.memory_space<vmem>>, vector<1x1x16xi32>,
        %get3A_310 = vector.shape_cast %get3A_309 : vector<1x1x16xi32> to vector<16xi32>
        %shift_left3A_311 = arith.constant 16 : i32
        %shift_left3A_312 = vector.broadcast %shift_left3A_311 : i32 to vector<16xi32>
        %shift_left3A_313 = arith.shli %get3A_310, %shift_left3A_312 : vector<16xi32>
        %bitcast_convert_type3A_314 = tpu.bitcast %shift_left3A_313 : vector<16xi32> -> vector<16xf32>
        %and3A_315 = arith.constant -65536 : i32
        %and3A_316 = vector.broadcast %and3A_315 : i32 to vector<16xi32>
        %and3A_317 = arith.andi %get3A_310, %and3A_316 : vector<16xi32>
        %bitcast_convert_type3A_318 = tpu.bitcast %and3A_317 : vector<16xi32> -> vector<16xf32>
        %add3A_319 = arith.addf %add3A_283, %bitcast_convert_type3A_314 : vector<16xf32>
        %add3A_320 = arith.addf %add3A_284, %bitcast_convert_type3A_318 : vector<16xf32>
        %get3A_321 = arith.constant 2 : i32
        %get3A_322 = arith.index_cast %get3A_321 : i32 to index
        %get3A_323 = arith.index_cast %add3A_304 : i32 to index
        %get3A_324 = arith.constant 16 : index
        %get3A_325 = tpu.vector_load %arg6[%get3A_322, %get3A_323, %get3A_324] {strides = array<i32>} : memref<4x100x32xi32, #tpu.memory_space<vmem>>, vector<1x1x16xi32>,
        %get3A_326 = vector.shape_cast %get3A_325 : vector<1x1x16xi32> to vector<16xi32>
        %shift_left3A_327 = arith.constant 16 : i32
        %shift_left3A_328 = vector.broadcast %shift_left3A_327 : i32 to vector<16xi32>
        %shift_left3A_329 = arith.shli %get3A_326, %shift_left3A_328 : vector<16xi32>
        %bitcast_convert_type3A_330 = tpu.bitcast %shift_left3A_329 : vector<16xi32> -> vector<16xf32>
        %and3A_331 = arith.constant -65536 : i32
        %and3A_332 = vector.broadcast %and3A_331 : i32 to vector<16xi32>
        %and3A_333 = arith.andi %get3A_326, %and3A_332 : vector<16xi32>
        %bitcast_convert_type3A_334 = tpu.bitcast %and3A_333 : vector<16xi32> -> vector<16xf32>
        %add3A_335 = arith.addf %add3A_299, %bitcast_convert_type3A_330 : vector<16xf32>
        %add3A_336 = arith.addf %add3A_300, %bitcast_convert_type3A_334 : vector<16xf32>
        %mul3A_337 = arith.constant 4 : i32
        %mul3A_338 = arith.muli %scan3A_228, %mul3A_337 : i32
        %add3A_339 = arith.constant 3 : i32
        %add3A_340 = arith.addi %mul3A_338, %add3A_339 : i32
        %get3A_341 = arith.constant 2 : i32
        %get3A_342 = arith.index_cast %get3A_341 : i32 to index
        %get3A_343 = arith.index_cast %add3A_340 : i32 to index
        %get3A_344 = arith.constant 0 : index
        %get3A_345 = tpu.vector_load %arg6[%get3A_342, %get3A_343, %get3A_344] {strides = array<i32>} : memref<4x100x32xi32, #tpu.memory_space<vmem>>, vector<1x1x16xi32>,
        %get3A_346 = vector.shape_cast %get3A_345 : vector<1x1x16xi32> to vector<16xi32>
        %shift_left3A_347 = arith.constant 16 : i32
        %shift_left3A_348 = vector.broadcast %shift_left3A_347 : i32 to vector<16xi32>
        %shift_left3A_349 = arith.shli %get3A_346, %shift_left3A_348 : vector<16xi32>
        %bitcast_convert_type3A_350 = tpu.bitcast %shift_left3A_349 : vector<16xi32> -> vector<16xf32>
        %and3A_351 = arith.constant -65536 : i32
        %and3A_352 = vector.broadcast %and3A_351 : i32 to vector<16xi32>
        %and3A_353 = arith.andi %get3A_346, %and3A_352 : vector<16xi32>
        %bitcast_convert_type3A_354 = tpu.bitcast %and3A_353 : vector<16xi32> -> vector<16xf32>
        %add3A_355 = arith.addf %add3A_319, %bitcast_convert_type3A_350 : vector<16xf32>
        %add3A_356 = arith.addf %add3A_320, %bitcast_convert_type3A_354 : vector<16xf32>
        %get3A_357 = arith.constant 2 : i32
        %get3A_358 = arith.index_cast %get3A_357 : i32 to index
        %get3A_359 = arith.index_cast %add3A_340 : i32 to index
        %get3A_360 = arith.constant 16 : index
        %get3A_361 = tpu.vector_load %arg6[%get3A_358, %get3A_359, %get3A_360] {strides = array<i32>} : memref<4x100x32xi32, #tpu.memory_space<vmem>>, vector<1x1x16xi32>,
        %get3A_362 = vector.shape_cast %get3A_361 : vector<1x1x16xi32> to vector<16xi32>
        %shift_left3A_363 = arith.constant 16 : i32
        %shift_left3A_364 = vector.broadcast %shift_left3A_363 : i32 to vector<16xi32>
        %shift_left3A_365 = arith.shli %get3A_362, %shift_left3A_364 : vector<16xi32>
        %bitcast_convert_type3A_366 = tpu.bitcast %shift_left3A_365 : vector<16xi32> -> vector<16xf32>
        %and3A_367 = arith.constant -65536 : i32
        %and3A_368 = vector.broadcast %and3A_367 : i32 to vector<16xi32>
        %and3A_369 = arith.andi %get3A_362, %and3A_368 : vector<16xi32>
        %bitcast_convert_type3A_370 = tpu.bitcast %and3A_369 : vector<16xi32> -> vector<16xf32>
        %add3A_371 = arith.addf %add3A_335, %bitcast_convert_type3A_366 : vector<16xf32>
        %add3A_372 = arith.addf %add3A_336, %bitcast_convert_type3A_370 : vector<16xf32>
        scf.yield %add3A_355, %add3A_371, %add3A_356, %add3A_372 : vector<16xf32>, vector<16xf32>, vector<16xf32>, vector<16xf32>
      }
      %scan3A_172 = arith.constant 25 : i32
      %add3A_173 = arith.constant 4 : i32
      %add3A_174 = arith.addi %add3A_155, %add3A_173 : i32
      %lt3A_175 = arith.constant 256 : i32
      %lt3A_176 = arith.cmpi slt, %add3A_174, %lt3A_175 : i32
      %convert_element_type3A_177 = arith.extui %lt3A_176 : i1 to i32
      %cond3A_178 = arith.constant 0 : i32
      %cond3A_179 = arith.cmpi ne, %convert_element_type3A_177, %cond3A_178 : i32
      scf.if %cond3A_179 {
        %add3A_228 = arith.constant 4 : i32
        %add3A_229 = arith.addi %add3A_155, %add3A_228 : i32
        %dma_start3A_230 = arith.constant 2 : i32
        %dma_start3A_231 = arith.constant 0 : i32
        %dma_start3A_232 = arith.constant 0 : i32
        %dma_start3A_233 = tpu.memref_slice %arg6[%dma_start3A_230, %dma_start3A_231, %dma_start3A_232] : memref<4x100x32xi32, #tpu.memory_space<vmem>> -> memref<1x100x32xi32, #tpu.memory_space<vmem>>
        %dma_start3A_234 = tpu.memref_squeeze %dma_start3A_233 : memref<1x100x32xi32, #tpu.memory_space<vmem>> -> memref<100x32xi32, #tpu.memory_space<vmem>>
        %dma_start3A_235 = arith.constant 0 : i32
        %dma_start3A_236 = tpu.memref_slice %arg5[%add3A_229, %dma_start3A_235] : memref<256x100xi32, #tpu.memory_space<vmem>> -> memref<1x100xi32, #tpu.memory_space<vmem>>
        %dma_start3A_237 = tpu.memref_squeeze %dma_start3A_236 : memref<1x100xi32, #tpu.memory_space<vmem>> -> memref<100xi32, #tpu.memory_space<vmem>>
        %dma_start3A_238 = arith.constant 0 : i32
        %dma_start3A_239 = arith.constant 0 : i32
        %dma_start3A_240 = tpu.memref_slice %arg3[%dma_start3A_238, %dma_start3A_239] : memref<1015808x32xi32, #tpu.memory_space<hbm>> -> memref<1015808x32xi32, #tpu.memory_space<hbm>>
        tpu.enqueue_indirect_dma source(%dma_start3A_240 : memref<1015808x32xi32, #tpu.memory_space<hbm>>) target(%dma_start3A_234 : memref<100x32xi32, #tpu.memory_space<vmem>>) offsets(%dma_start3A_237 : memref<100xi32, #tpu.memory_space<vmem>>) semaphore(%arg10 : memref<!tpu.dma_semaphore, #tpu.memory_space<semaphore_mem>>)
      } else {
      }
      %mul3A_180 = arith.constant 4 : i32
      %mul3A_181 = arith.muli %mul3A_180, %scan3A_57 : i32
      %add3A_182 = arith.constant 3 : i32
      %add3A_183 = arith.addi %mul3A_181, %add3A_182 : i32
      %dma_wait3A_184 = arith.constant 3 : i32
      %dma_wait3A_185 = arith.constant 0 : i32
      %dma_wait3A_186 = arith.constant 0 : i32
      %dma_wait3A_187 = tpu.memref_slice %arg6[%dma_wait3A_184, %dma_wait3A_185, %dma_wait3A_186] : memref<4x100x32xi32, #tpu.memory_space<vmem>> -> memref<1x100x32xi32, #tpu.memory_space<vmem>>
      %dma_wait3A_188 = tpu.memref_squeeze %dma_wait3A_187 : memref<1x100x32xi32, #tpu.memory_space<vmem>> -> memref<100x32xi32, #tpu.memory_space<vmem>>
      %dma_wait3A_189 = arith.constant 0 : i32
      %dma_wait3A_190 = tpu.memref_slice %arg5[%add3A_183, %dma_wait3A_189] : memref<256x100xi32, #tpu.memory_space<vmem>> -> memref<1x100xi32, #tpu.memory_space<vmem>>
      %dma_wait3A_191 = tpu.memref_squeeze %dma_wait3A_190 : memref<1x100xi32, #tpu.memory_space<vmem>> -> memref<100xi32, #tpu.memory_space<vmem>>
      %dma_wait3A_192 = arith.constant 0 : i32
      %dma_wait3A_193 = arith.constant 0 : i32
      %dma_wait3A_194 = tpu.memref_slice %arg3[%dma_wait3A_192, %dma_wait3A_193] : memref<1015808x32xi32, #tpu.memory_space<hbm>> -> memref<1015808x32xi32, #tpu.memory_space<hbm>>
      tpu.wait_indirect_dma semaphore(%arg11 : memref<!tpu.dma_semaphore, #tpu.memory_space<semaphore_mem>>) src(%dma_wait3A_194 : memref<1015808x32xi32, #tpu.memory_space<hbm>>) dst(%dma_wait3A_188 : memref<100x32xi32, #tpu.memory_space<vmem>>)
      %scan3A_195 = arith.constant 0 : i32
      %scan3A_196 = arith.constant 25 : i32
      %scan3A_197 = arith.addi %scan3A_195, %scan3A_196 : i32
      %scan3A_198 = arith.constant 1 : i32
      %scan3A_199:4 = scf.for %scan3A_228 = %scan3A_195 to %scan3A_197 step %scan3A_198 iter_args(%scan3A_229 = %scan3A_171#0, %scan3A_230 = %scan3A_171#1, %scan3A_231 = %scan3A_171#2, %scan3A_232 = %scan3A_171#3) -> (vector<16xf32>, vector<16xf32>, vector<16xf32>, vector<16xf32>)  : i32 {
        %mul3A_233 = arith.constant 4 : i32
        %mul3A_234 = arith.muli %scan3A_228, %mul3A_233 : i32
        %add3A_235 = arith.constant 0 : i32
        %add3A_236 = arith.addi %mul3A_234, %add3A_235 : i32
        %get3A = arith.constant 3 : i32
        %get3A_237 = arith.index_cast %get3A : i32 to index
        %get3A_238 = arith.index_cast %add3A_236 : i32 to index
        %get3A_239 = arith.constant 0 : index
        %get3A_240 = tpu.vector_load %arg6[%get3A_237, %get3A_238, %get3A_239] {strides = array<i32>} : memref<4x100x32xi32, #tpu.memory_space<vmem>>, vector<1x1x16xi32>,
        %get3A_241 = vector.shape_cast %get3A_240 : vector<1x1x16xi32> to vector<16xi32>
        %shift_left3A = arith.constant 16 : i32
        %shift_left3A_242 = vector.broadcast %shift_left3A : i32 to vector<16xi32>
        %shift_left3A_243 = arith.shli %get3A_241, %shift_left3A_242 : vector<16xi32>
        %bitcast_convert_type3A = tpu.bitcast %shift_left3A_243 : vector<16xi32> -> vector<16xf32>
        %and3A = arith.constant -65536 : i32
        %and3A_244 = vector.broadcast %and3A : i32 to vector<16xi32>
        %and3A_245 = arith.andi %get3A_241, %and3A_244 : vector<16xi32>
        %bitcast_convert_type3A_246 = tpu.bitcast %and3A_245 : vector<16xi32> -> vector<16xf32>
        %add3A_247 = arith.addf %scan3A_229, %bitcast_convert_type3A : vector<16xf32>
        %add3A_248 = arith.addf %scan3A_231, %bitcast_convert_type3A_246 : vector<16xf32>
        %get3A_249 = arith.constant 3 : i32
        %get3A_250 = arith.index_cast %get3A_249 : i32 to index
        %get3A_251 = arith.index_cast %add3A_236 : i32 to index
        %get3A_252 = arith.constant 16 : index
        %get3A_253 = tpu.vector_load %arg6[%get3A_250, %get3A_251, %get3A_252] {strides = array<i32>} : memref<4x100x32xi32, #tpu.memory_space<vmem>>, vector<1x1x16xi32>,
        %get3A_254 = vector.shape_cast %get3A_253 : vector<1x1x16xi32> to vector<16xi32>
        %shift_left3A_255 = arith.constant 16 : i32
        %shift_left3A_256 = vector.broadcast %shift_left3A_255 : i32 to vector<16xi32>
        %shift_left3A_257 = arith.shli %get3A_254, %shift_left3A_256 : vector<16xi32>
        %bitcast_convert_type3A_258 = tpu.bitcast %shift_left3A_257 : vector<16xi32> -> vector<16xf32>
        %and3A_259 = arith.constant -65536 : i32
        %and3A_260 = vector.broadcast %and3A_259 : i32 to vector<16xi32>
        %and3A_261 = arith.andi %get3A_254, %and3A_260 : vector<16xi32>
        %bitcast_convert_type3A_262 = tpu.bitcast %and3A_261 : vector<16xi32> -> vector<16xf32>
        %add3A_263 = arith.addf %scan3A_230, %bitcast_convert_type3A_258 : vector<16xf32>
        %add3A_264 = arith.addf %scan3A_232, %bitcast_convert_type3A_262 : vector<16xf32>
        %mul3A_265 = arith.constant 4 : i32
        %mul3A_266 = arith.muli %scan3A_228, %mul3A_265 : i32
        %add3A_267 = arith.constant 1 : i32
        %add3A_268 = arith.addi %mul3A_266, %add3A_267 : i32
        %get3A_269 = arith.constant 3 : i32
        %get3A_270 = arith.index_cast %get3A_269 : i32 to index
        %get3A_271 = arith.index_cast %add3A_268 : i32 to index
        %get3A_272 = arith.constant 0 : index
        %get3A_273 = tpu.vector_load %arg6[%get3A_270, %get3A_271, %get3A_272] {strides = array<i32>} : memref<4x100x32xi32, #tpu.memory_space<vmem>>, vector<1x1x16xi32>,
        %get3A_274 = vector.shape_cast %get3A_273 : vector<1x1x16xi32> to vector<16xi32>
        %shift_left3A_275 = arith.constant 16 : i32
        %shift_left3A_276 = vector.broadcast %shift_left3A_275 : i32 to vector<16xi32>
        %shift_left3A_277 = arith.shli %get3A_274, %shift_left3A_276 : vector<16xi32>
        %bitcast_convert_type3A_278 = tpu.bitcast %shift_left3A_277 : vector<16xi32> -> vector<16xf32>
        %and3A_279 = arith.constant -65536 : i32
        %and3A_280 = vector.broadcast %and3A_279 : i32 to vector<16xi32>
        %and3A_281 = arith.andi %get3A_274, %and3A_280 : vector<16xi32>
        %bitcast_convert_type3A_282 = tpu.bitcast %and3A_281 : vector<16xi32> -> vector<16xf32>
        %add3A_283 = arith.addf %add3A_247, %bitcast_convert_type3A_278 : vector<16xf32>
        %add3A_284 = arith.addf %add3A_248, %bitcast_convert_type3A_282 : vector<16xf32>
        %get3A_285 = arith.constant 3 : i32
        %get3A_286 = arith.index_cast %get3A_285 : i32 to index
        %get3A_287 = arith.index_cast %add3A_268 : i32 to index
        %get3A_288 = arith.constant 16 : index
        %get3A_289 = tpu.vector_load %arg6[%get3A_286, %get3A_287, %get3A_288] {strides = array<i32>} : memref<4x100x32xi32, #tpu.memory_space<vmem>>, vector<1x1x16xi32>,
        %get3A_290 = vector.shape_cast %get3A_289 : vector<1x1x16xi32> to vector<16xi32>
        %shift_left3A_291 = arith.constant 16 : i32
        %shift_left3A_292 = vector.broadcast %shift_left3A_291 : i32 to vector<16xi32>
        %shift_left3A_293 = arith.shli %get3A_290, %shift_left3A_292 : vector<16xi32>
        %bitcast_convert_type3A_294 = tpu.bitcast %shift_left3A_293 : vector<16xi32> -> vector<16xf32>
        %and3A_295 = arith.constant -65536 : i32
        %and3A_296 = vector.broadcast %and3A_295 : i32 to vector<16xi32>
        %and3A_297 = arith.andi %get3A_290, %and3A_296 : vector<16xi32>
        %bitcast_convert_type3A_298 = tpu.bitcast %and3A_297 : vector<16xi32> -> vector<16xf32>
        %add3A_299 = arith.addf %add3A_263, %bitcast_convert_type3A_294 : vector<16xf32>
        %add3A_300 = arith.addf %add3A_264, %bitcast_convert_type3A_298 : vector<16xf32>
        %mul3A_301 = arith.constant 4 : i32
        %mul3A_302 = arith.muli %scan3A_228, %mul3A_301 : i32
        %add3A_303 = arith.constant 2 : i32
        %add3A_304 = arith.addi %mul3A_302, %add3A_303 : i32
        %get3A_305 = arith.constant 3 : i32
        %get3A_306 = arith.index_cast %get3A_305 : i32 to index
        %get3A_307 = arith.index_cast %add3A_304 : i32 to index
        %get3A_308 = arith.constant 0 : index
        %get3A_309 = tpu.vector_load %arg6[%get3A_306, %get3A_307, %get3A_308] {strides = array<i32>} : memref<4x100x32xi32, #tpu.memory_space<vmem>>, vector<1x1x16xi32>,
        %get3A_310 = vector.shape_cast %get3A_309 : vector<1x1x16xi32> to vector<16xi32>
        %shift_left3A_311 = arith.constant 16 : i32
        %shift_left3A_312 = vector.broadcast %shift_left3A_311 : i32 to vector<16xi32>
        %shift_left3A_313 = arith.shli %get3A_310, %shift_left3A_312 : vector<16xi32>
        %bitcast_convert_type3A_314 = tpu.bitcast %shift_left3A_313 : vector<16xi32> -> vector<16xf32>
        %and3A_315 = arith.constant -65536 : i32
        %and3A_316 = vector.broadcast %and3A_315 : i32 to vector<16xi32>
        %and3A_317 = arith.andi %get3A_310, %and3A_316 : vector<16xi32>
        %bitcast_convert_type3A_318 = tpu.bitcast %and3A_317 : vector<16xi32> -> vector<16xf32>
        %add3A_319 = arith.addf %add3A_283, %bitcast_convert_type3A_314 : vector<16xf32>
        %add3A_320 = arith.addf %add3A_284, %bitcast_convert_type3A_318 : vector<16xf32>
        %get3A_321 = arith.constant 3 : i32
        %get3A_322 = arith.index_cast %get3A_321 : i32 to index
        %get3A_323 = arith.index_cast %add3A_304 : i32 to index
        %get3A_324 = arith.constant 16 : index
        %get3A_325 = tpu.vector_load %arg6[%get3A_322, %get3A_323, %get3A_324] {strides = array<i32>} : memref<4x100x32xi32, #tpu.memory_space<vmem>>, vector<1x1x16xi32>,
        %get3A_326 = vector.shape_cast %get3A_325 : vector<1x1x16xi32> to vector<16xi32>
        %shift_left3A_327 = arith.constant 16 : i32
        %shift_left3A_328 = vector.broadcast %shift_left3A_327 : i32 to vector<16xi32>
        %shift_left3A_329 = arith.shli %get3A_326, %shift_left3A_328 : vector<16xi32>
        %bitcast_convert_type3A_330 = tpu.bitcast %shift_left3A_329 : vector<16xi32> -> vector<16xf32>
        %and3A_331 = arith.constant -65536 : i32
        %and3A_332 = vector.broadcast %and3A_331 : i32 to vector<16xi32>
        %and3A_333 = arith.andi %get3A_326, %and3A_332 : vector<16xi32>
        %bitcast_convert_type3A_334 = tpu.bitcast %and3A_333 : vector<16xi32> -> vector<16xf32>
        %add3A_335 = arith.addf %add3A_299, %bitcast_convert_type3A_330 : vector<16xf32>
        %add3A_336 = arith.addf %add3A_300, %bitcast_convert_type3A_334 : vector<16xf32>
        %mul3A_337 = arith.constant 4 : i32
        %mul3A_338 = arith.muli %scan3A_228, %mul3A_337 : i32
        %add3A_339 = arith.constant 3 : i32
        %add3A_340 = arith.addi %mul3A_338, %add3A_339 : i32
        %get3A_341 = arith.constant 3 : i32
        %get3A_342 = arith.index_cast %get3A_341 : i32 to index
        %get3A_343 = arith.index_cast %add3A_340 : i32 to index
        %get3A_344 = arith.constant 0 : index
        %get3A_345 = tpu.vector_load %arg6[%get3A_342, %get3A_343, %get3A_344] {strides = array<i32>} : memref<4x100x32xi32, #tpu.memory_space<vmem>>, vector<1x1x16xi32>,
        %get3A_346 = vector.shape_cast %get3A_345 : vector<1x1x16xi32> to vector<16xi32>
        %shift_left3A_347 = arith.constant 16 : i32
        %shift_left3A_348 = vector.broadcast %shift_left3A_347 : i32 to vector<16xi32>
        %shift_left3A_349 = arith.shli %get3A_346, %shift_left3A_348 : vector<16xi32>
        %bitcast_convert_type3A_350 = tpu.bitcast %shift_left3A_349 : vector<16xi32> -> vector<16xf32>
        %and3A_351 = arith.constant -65536 : i32
        %and3A_352 = vector.broadcast %and3A_351 : i32 to vector<16xi32>
        %and3A_353 = arith.andi %get3A_346, %and3A_352 : vector<16xi32>
        %bitcast_convert_type3A_354 = tpu.bitcast %and3A_353 : vector<16xi32> -> vector<16xf32>
        %add3A_355 = arith.addf %add3A_319, %bitcast_convert_type3A_350 : vector<16xf32>
        %add3A_356 = arith.addf %add3A_320, %bitcast_convert_type3A_354 : vector<16xf32>
        %get3A_357 = arith.constant 3 : i32
        %get3A_358 = arith.index_cast %get3A_357 : i32 to index
        %get3A_359 = arith.index_cast %add3A_340 : i32 to index
        %get3A_360 = arith.constant 16 : index
        %get3A_361 = tpu.vector_load %arg6[%get3A_358, %get3A_359, %get3A_360] {strides = array<i32>} : memref<4x100x32xi32, #tpu.memory_space<vmem>>, vector<1x1x16xi32>,
        %get3A_362 = vector.shape_cast %get3A_361 : vector<1x1x16xi32> to vector<16xi32>
        %shift_left3A_363 = arith.constant 16 : i32
        %shift_left3A_364 = vector.broadcast %shift_left3A_363 : i32 to vector<16xi32>
        %shift_left3A_365 = arith.shli %get3A_362, %shift_left3A_364 : vector<16xi32>
        %bitcast_convert_type3A_366 = tpu.bitcast %shift_left3A_365 : vector<16xi32> -> vector<16xf32>
        %and3A_367 = arith.constant -65536 : i32
        %and3A_368 = vector.broadcast %and3A_367 : i32 to vector<16xi32>
        %and3A_369 = arith.andi %get3A_362, %and3A_368 : vector<16xi32>
        %bitcast_convert_type3A_370 = tpu.bitcast %and3A_369 : vector<16xi32> -> vector<16xf32>
        %add3A_371 = arith.addf %add3A_335, %bitcast_convert_type3A_366 : vector<16xf32>
        %add3A_372 = arith.addf %add3A_336, %bitcast_convert_type3A_370 : vector<16xf32>
        scf.yield %add3A_355, %add3A_371, %add3A_356, %add3A_372 : vector<16xf32>, vector<16xf32>, vector<16xf32>, vector<16xf32>
      }
      %scan3A_200 = arith.constant 25 : i32
      %add3A_201 = arith.constant 4 : i32
      %add3A_202 = arith.addi %add3A_183, %add3A_201 : i32
      %lt3A_203 = arith.constant 256 : i32
      %lt3A_204 = arith.cmpi slt, %add3A_202, %lt3A_203 : i32
      %convert_element_type3A_205 = arith.extui %lt3A_204 : i1 to i32
      %cond3A_206 = arith.constant 0 : i32
      %cond3A_207 = arith.cmpi ne, %convert_element_type3A_205, %cond3A_206 : i32
      scf.if %cond3A_207 {
        %add3A_228 = arith.constant 4 : i32
        %add3A_229 = arith.addi %add3A_183, %add3A_228 : i32
        %dma_start3A_230 = arith.constant 3 : i32
        %dma_start3A_231 = arith.constant 0 : i32
        %dma_start3A_232 = arith.constant 0 : i32
        %dma_start3A_233 = tpu.memref_slice %arg6[%dma_start3A_230, %dma_start3A_231, %dma_start3A_232] : memref<4x100x32xi32, #tpu.memory_space<vmem>> -> memref<1x100x32xi32, #tpu.memory_space<vmem>>
        %dma_start3A_234 = tpu.memref_squeeze %dma_start3A_233 : memref<1x100x32xi32, #tpu.memory_space<vmem>> -> memref<100x32xi32, #tpu.memory_space<vmem>>
        %dma_start3A_235 = arith.constant 0 : i32
        %dma_start3A_236 = tpu.memref_slice %arg5[%add3A_229, %dma_start3A_235] : memref<256x100xi32, #tpu.memory_space<vmem>> -> memref<1x100xi32, #tpu.memory_space<vmem>>
        %dma_start3A_237 = tpu.memref_squeeze %dma_start3A_236 : memref<1x100xi32, #tpu.memory_space<vmem>> -> memref<100xi32, #tpu.memory_space<vmem>>
        %dma_start3A_238 = arith.constant 0 : i32
        %dma_start3A_239 = arith.constant 0 : i32
        %dma_start3A_240 = tpu.memref_slice %arg3[%dma_start3A_238, %dma_start3A_239] : memref<1015808x32xi32, #tpu.memory_space<hbm>> -> memref<1015808x32xi32, #tpu.memory_space<hbm>>
        tpu.enqueue_indirect_dma source(%dma_start3A_240 : memref<1015808x32xi32, #tpu.memory_space<hbm>>) target(%dma_start3A_234 : memref<100x32xi32, #tpu.memory_space<vmem>>) offsets(%dma_start3A_237 : memref<100xi32, #tpu.memory_space<vmem>>) semaphore(%arg11 : memref<!tpu.dma_semaphore, #tpu.memory_space<semaphore_mem>>)
      } else {
      }
      %swap3A_208 = arith.index_cast %add3A_143 : i32 to index
      %swap3A_209 = arith.constant 0 : index
      %swap3A_210 = tpu.vector_load %arg7[%swap3A_208, %swap3A_209] {strides = array<i32>} : memref<128x64xf32, #tpu.memory_space<vmem>>, vector<1x16xf32>,
      %swap3A_211 = vector.shape_cast %swap3A_210 : vector<1x16xf32> to vector<16xf32>
      %swap3A_212 = vector.shape_cast %scan3A_199#0 : vector<16xf32> to vector<1x16xf32>
      tpu.vector_store %arg7[%swap3A_208, %swap3A_209], %swap3A_212 {strides = array<i32>} : memref<128x64xf32, #tpu.memory_space<vmem>>, vector<1x16xf32>,
      %swap3A_213 = arith.index_cast %add3A_143 : i32 to index
      %swap3A_214 = arith.constant 16 : index
      %swap3A_215 = tpu.vector_load %arg7[%swap3A_213, %swap3A_214] {strides = array<i32>} : memref<128x64xf32, #tpu.memory_space<vmem>>, vector<1x16xf32>,
      %swap3A_216 = vector.shape_cast %swap3A_215 : vector<1x16xf32> to vector<16xf32>
      %swap3A_217 = vector.shape_cast %scan3A_199#1 : vector<16xf32> to vector<1x16xf32>
      tpu.vector_store %arg7[%swap3A_213, %swap3A_214], %swap3A_217 {strides = array<i32>} : memref<128x64xf32, #tpu.memory_space<vmem>>, vector<1x16xf32>,
      %swap3A_218 = arith.index_cast %add3A_143 : i32 to index
      %swap3A_219 = arith.constant 32 : index
      %swap3A_220 = tpu.vector_load %arg7[%swap3A_218, %swap3A_219] {strides = array<i32>} : memref<128x64xf32, #tpu.memory_space<vmem>>, vector<1x16xf32>,
      %swap3A_221 = vector.shape_cast %swap3A_220 : vector<1x16xf32> to vector<16xf32>
      %swap3A_222 = vector.shape_cast %scan3A_199#2 : vector<16xf32> to vector<1x16xf32>
      tpu.vector_store %arg7[%swap3A_218, %swap3A_219], %swap3A_222 {strides = array<i32>} : memref<128x64xf32, #tpu.memory_space<vmem>>, vector<1x16xf32>,
      %swap3A_223 = arith.index_cast %add3A_143 : i32 to index
      %swap3A_224 = arith.constant 48 : index
      %swap3A_225 = tpu.vector_load %arg7[%swap3A_223, %swap3A_224] {strides = array<i32>} : memref<128x64xf32, #tpu.memory_space<vmem>>, vector<1x16xf32>,
      %swap3A_226 = vector.shape_cast %swap3A_225 : vector<1x16xf32> to vector<16xf32>
      %swap3A_227 = vector.shape_cast %scan3A_199#3 : vector<16xf32> to vector<1x16xf32>
      tpu.vector_store %arg7[%swap3A_223, %swap3A_224], %swap3A_227 {strides = array<i32>} : memref<128x64xf32, #tpu.memory_space<vmem>>, vector<1x16xf32>,
    }
    %scan3A_56 = arith.constant 64 : i32
    "tpu.region"() ({
      %run_scoped3A = tpu.sem_alloc : memref<!tpu.dma_semaphore, #tpu.memory_space<semaphore_mem>>
      %dma_start3A_57 = arith.constant 0 : i32
      %dma_start3A_58 = tpu.memref_slice %arg4[%mul3A_4, %dma_start3A_57] : memref<4096x64xf32, #tpu.memory_space<hbm>> -> memref<128x64xf32, #tpu.memory_space<hbm>>
      %dma_start3A_59 = arith.constant 0 : i32
      %dma_start3A_60 = tpu.memref_slice %arg4[%mul3A_4, %dma_start3A_59] : memref<4096x64xf32, #tpu.memory_space<hbm>> -> memref<128x64xf32, #tpu.memory_space<hbm>>
      tpu.enqueue_dma source(%arg7 : memref<128x64xf32, #tpu.memory_space<vmem>>) target(%dma_start3A_60 : memref<128x64xf32, #tpu.memory_space<hbm>>) target_semaphore(%run_scoped3A : memref<!tpu.dma_semaphore, #tpu.memory_space<semaphore_mem>>)
      %dma_wait3A = arith.constant 0 : i32
      %dma_wait3A_61 = tpu.memref_slice %arg4[%mul3A_4, %dma_wait3A] : memref<4096x64xf32, #tpu.memory_space<hbm>> -> memref<128x64xf32, #tpu.memory_space<hbm>>
      %dma_wait3A_62 = arith.constant 0 : i32
      %dma_wait3A_63 = tpu.memref_slice %arg4[%mul3A_4, %dma_wait3A_62] : memref<4096x64xf32, #tpu.memory_space<hbm>> -> memref<128x64xf32, #tpu.memory_space<hbm>>
      tpu.wait_dma2 semaphore(%run_scoped3A : memref<!tpu.dma_semaphore, #tpu.memory_space<semaphore_mem>>) src(%arg7 : memref<128x64xf32, #tpu.memory_space<vmem>>) dst(%dma_wait3A_63 : memref<128x64xf32, #tpu.memory_space<hbm>>)
      tpu.yield
    }) : () -> ()
    return
  }
}

module attributes {stable_mosaic.version = 14 : i64} {
  func.func @body(%arg0: i32, %arg1: memref<64x32768xf32, #tpu.memory_space<vmem>>, %arg2: memref<8192x128xi32, #tpu.memory_space<vmem>>) attributes {dimension_semantics = [#tpu.dimension_semantics<arbitrary>], iteration_bounds = array<i64: 31>, scalar_prefetch = 0 : i64, scratch_operands = 0 : i64, tpu.core_type = #tpu.core_type<tc>, window_params = [{transform_indices = @transform_0, window_bounds = array<i64: 64, 32768>}, {transform_indices = @transform_1, window_bounds = array<i64: 8192, 128>}]} {
    %get3A = arith.constant 0 : index
    %get3A_0 = arith.constant 0 : index
    %get3A_1 = vector.load %arg1[%get3A, %get3A_0] : memref<64x32768xf32, #tpu.memory_space<vmem>>, vector<64x32768xf32>
    %slice3A = vector.extract_strided_slice %get3A_1 {offsets = [0, 0], sizes = [64, 8192], strides = [1, 1]} : vector<64x32768xf32> to vector<64x8192xf32>
    %slice3A_2 = vector.extract_strided_slice %slice3A {offsets = [0, 0], sizes = [32, 8192], strides = [1, 1]} : vector<64x8192xf32> to vector<32x8192xf32>
    %bitcast_convert_type3A = tpu.bitcast %slice3A_2 : vector<32x8192xf32> -> vector<32x8192xi32>
    %add3A = arith.constant 32767 : i32
    %add3A_3 = vector.broadcast %add3A : i32 to vector<32x8192xi32>
    %add3A_4 = arith.addi %bitcast_convert_type3A, %add3A_3 : vector<32x8192xi32>
    %shift_right_arithmetic3A = arith.constant 16 : i32
    %shift_right_arithmetic3A_5 = vector.broadcast %shift_right_arithmetic3A : i32 to vector<32x8192xi32>
    %shift_right_arithmetic3A_6 = arith.shrsi %bitcast_convert_type3A, %shift_right_arithmetic3A_5 : vector<32x8192xi32>
    %and3A = arith.constant 1 : i32
    %and3A_7 = vector.broadcast %and3A : i32 to vector<32x8192xi32>
    %and3A_8 = arith.andi %shift_right_arithmetic3A_6, %and3A_7 : vector<32x8192xi32>
    %add3A_9 = arith.addi %add3A_4, %and3A_8 : vector<32x8192xi32>
    %shift_right_arithmetic3A_10 = arith.constant 16 : i32
    %shift_right_arithmetic3A_11 = vector.broadcast %shift_right_arithmetic3A_10 : i32 to vector<32x8192xi32>
    %shift_right_arithmetic3A_12 = arith.shrsi %add3A_9, %shift_right_arithmetic3A_11 : vector<32x8192xi32>
    %and3A_13 = arith.constant 65535 : i32
    %and3A_14 = vector.broadcast %and3A_13 : i32 to vector<32x8192xi32>
    %and3A_15 = arith.andi %shift_right_arithmetic3A_12, %and3A_14 : vector<32x8192xi32>
    %slice3A_16 = vector.extract_strided_slice %slice3A {offsets = [32, 0], sizes = [32, 8192], strides = [1, 1]} : vector<64x8192xf32> to vector<32x8192xf32>
    %bitcast_convert_type3A_17 = tpu.bitcast %slice3A_16 : vector<32x8192xf32> -> vector<32x8192xi32>
    %add3A_18 = arith.constant 32767 : i32
    %add3A_19 = vector.broadcast %add3A_18 : i32 to vector<32x8192xi32>
    %add3A_20 = arith.addi %bitcast_convert_type3A_17, %add3A_19 : vector<32x8192xi32>
    %shift_right_arithmetic3A_21 = arith.constant 16 : i32
    %shift_right_arithmetic3A_22 = vector.broadcast %shift_right_arithmetic3A_21 : i32 to vector<32x8192xi32>
    %shift_right_arithmetic3A_23 = arith.shrsi %bitcast_convert_type3A_17, %shift_right_arithmetic3A_22 : vector<32x8192xi32>
    %and3A_24 = arith.constant 1 : i32
    %and3A_25 = vector.broadcast %and3A_24 : i32 to vector<32x8192xi32>
    %and3A_26 = arith.andi %shift_right_arithmetic3A_23, %and3A_25 : vector<32x8192xi32>
    %add3A_27 = arith.addi %add3A_20, %and3A_26 : vector<32x8192xi32>
    %and3A_28 = arith.constant -65536 : i32
    %and3A_29 = vector.broadcast %and3A_28 : i32 to vector<32x8192xi32>
    %and3A_30 = arith.andi %add3A_27, %and3A_29 : vector<32x8192xi32>
    %or3A = arith.ori %and3A_15, %and3A_30 : vector<32x8192xi32>
    %slice3A_31 = vector.extract_strided_slice %get3A_1 {offsets = [0, 8192], sizes = [64, 8192], strides = [1, 1]} : vector<64x32768xf32> to vector<64x8192xf32>
    %slice3A_32 = vector.extract_strided_slice %slice3A_31 {offsets = [0, 0], sizes = [32, 8192], strides = [1, 1]} : vector<64x8192xf32> to vector<32x8192xf32>
    %bitcast_convert_type3A_33 = tpu.bitcast %slice3A_32 : vector<32x8192xf32> -> vector<32x8192xi32>
    %add3A_34 = arith.constant 32767 : i32
    %add3A_35 = vector.broadcast %add3A_34 : i32 to vector<32x8192xi32>
    %add3A_36 = arith.addi %bitcast_convert_type3A_33, %add3A_35 : vector<32x8192xi32>
    %shift_right_arithmetic3A_37 = arith.constant 16 : i32
    %shift_right_arithmetic3A_38 = vector.broadcast %shift_right_arithmetic3A_37 : i32 to vector<32x8192xi32>
    %shift_right_arithmetic3A_39 = arith.shrsi %bitcast_convert_type3A_33, %shift_right_arithmetic3A_38 : vector<32x8192xi32>
    %and3A_40 = arith.constant 1 : i32
    %and3A_41 = vector.broadcast %and3A_40 : i32 to vector<32x8192xi32>
    %and3A_42 = arith.andi %shift_right_arithmetic3A_39, %and3A_41 : vector<32x8192xi32>
    %add3A_43 = arith.addi %add3A_36, %and3A_42 : vector<32x8192xi32>
    %shift_right_arithmetic3A_44 = arith.constant 16 : i32
    %shift_right_arithmetic3A_45 = vector.broadcast %shift_right_arithmetic3A_44 : i32 to vector<32x8192xi32>
    %shift_right_arithmetic3A_46 = arith.shrsi %add3A_43, %shift_right_arithmetic3A_45 : vector<32x8192xi32>
    %and3A_47 = arith.constant 65535 : i32
    %and3A_48 = vector.broadcast %and3A_47 : i32 to vector<32x8192xi32>
    %and3A_49 = arith.andi %shift_right_arithmetic3A_46, %and3A_48 : vector<32x8192xi32>
    %slice3A_50 = vector.extract_strided_slice %slice3A_31 {offsets = [32, 0], sizes = [32, 8192], strides = [1, 1]} : vector<64x8192xf32> to vector<32x8192xf32>
    %bitcast_convert_type3A_51 = tpu.bitcast %slice3A_50 : vector<32x8192xf32> -> vector<32x8192xi32>
    %add3A_52 = arith.constant 32767 : i32
    %add3A_53 = vector.broadcast %add3A_52 : i32 to vector<32x8192xi32>
    %add3A_54 = arith.addi %bitcast_convert_type3A_51, %add3A_53 : vector<32x8192xi32>
    %shift_right_arithmetic3A_55 = arith.constant 16 : i32
    %shift_right_arithmetic3A_56 = vector.broadcast %shift_right_arithmetic3A_55 : i32 to vector<32x8192xi32>
    %shift_right_arithmetic3A_57 = arith.shrsi %bitcast_convert_type3A_51, %shift_right_arithmetic3A_56 : vector<32x8192xi32>
    %and3A_58 = arith.constant 1 : i32
    %and3A_59 = vector.broadcast %and3A_58 : i32 to vector<32x8192xi32>
    %and3A_60 = arith.andi %shift_right_arithmetic3A_57, %and3A_59 : vector<32x8192xi32>
    %add3A_61 = arith.addi %add3A_54, %and3A_60 : vector<32x8192xi32>
    %and3A_62 = arith.constant -65536 : i32
    %and3A_63 = vector.broadcast %and3A_62 : i32 to vector<32x8192xi32>
    %and3A_64 = arith.andi %add3A_61, %and3A_63 : vector<32x8192xi32>
    %or3A_65 = arith.ori %and3A_49, %and3A_64 : vector<32x8192xi32>
    %slice3A_66 = vector.extract_strided_slice %get3A_1 {offsets = [0, 16384], sizes = [64, 8192], strides = [1, 1]} : vector<64x32768xf32> to vector<64x8192xf32>
    %slice3A_67 = vector.extract_strided_slice %slice3A_66 {offsets = [0, 0], sizes = [32, 8192], strides = [1, 1]} : vector<64x8192xf32> to vector<32x8192xf32>
    %bitcast_convert_type3A_68 = tpu.bitcast %slice3A_67 : vector<32x8192xf32> -> vector<32x8192xi32>
    %add3A_69 = arith.constant 32767 : i32
    %add3A_70 = vector.broadcast %add3A_69 : i32 to vector<32x8192xi32>
    %add3A_71 = arith.addi %bitcast_convert_type3A_68, %add3A_70 : vector<32x8192xi32>
    %shift_right_arithmetic3A_72 = arith.constant 16 : i32
    %shift_right_arithmetic3A_73 = vector.broadcast %shift_right_arithmetic3A_72 : i32 to vector<32x8192xi32>
    %shift_right_arithmetic3A_74 = arith.shrsi %bitcast_convert_type3A_68, %shift_right_arithmetic3A_73 : vector<32x8192xi32>
    %and3A_75 = arith.constant 1 : i32
    %and3A_76 = vector.broadcast %and3A_75 : i32 to vector<32x8192xi32>
    %and3A_77 = arith.andi %shift_right_arithmetic3A_74, %and3A_76 : vector<32x8192xi32>
    %add3A_78 = arith.addi %add3A_71, %and3A_77 : vector<32x8192xi32>
    %shift_right_arithmetic3A_79 = arith.constant 16 : i32
    %shift_right_arithmetic3A_80 = vector.broadcast %shift_right_arithmetic3A_79 : i32 to vector<32x8192xi32>
    %shift_right_arithmetic3A_81 = arith.shrsi %add3A_78, %shift_right_arithmetic3A_80 : vector<32x8192xi32>
    %and3A_82 = arith.constant 65535 : i32
    %and3A_83 = vector.broadcast %and3A_82 : i32 to vector<32x8192xi32>
    %and3A_84 = arith.andi %shift_right_arithmetic3A_81, %and3A_83 : vector<32x8192xi32>
    %slice3A_85 = vector.extract_strided_slice %slice3A_66 {offsets = [32, 0], sizes = [32, 8192], strides = [1, 1]} : vector<64x8192xf32> to vector<32x8192xf32>
    %bitcast_convert_type3A_86 = tpu.bitcast %slice3A_85 : vector<32x8192xf32> -> vector<32x8192xi32>
    %add3A_87 = arith.constant 32767 : i32
    %add3A_88 = vector.broadcast %add3A_87 : i32 to vector<32x8192xi32>
    %add3A_89 = arith.addi %bitcast_convert_type3A_86, %add3A_88 : vector<32x8192xi32>
    %shift_right_arithmetic3A_90 = arith.constant 16 : i32
    %shift_right_arithmetic3A_91 = vector.broadcast %shift_right_arithmetic3A_90 : i32 to vector<32x8192xi32>
    %shift_right_arithmetic3A_92 = arith.shrsi %bitcast_convert_type3A_86, %shift_right_arithmetic3A_91 : vector<32x8192xi32>
    %and3A_93 = arith.constant 1 : i32
    %and3A_94 = vector.broadcast %and3A_93 : i32 to vector<32x8192xi32>
    %and3A_95 = arith.andi %shift_right_arithmetic3A_92, %and3A_94 : vector<32x8192xi32>
    %add3A_96 = arith.addi %add3A_89, %and3A_95 : vector<32x8192xi32>
    %and3A_97 = arith.constant -65536 : i32
    %and3A_98 = vector.broadcast %and3A_97 : i32 to vector<32x8192xi32>
    %and3A_99 = arith.andi %add3A_96, %and3A_98 : vector<32x8192xi32>
    %or3A_100 = arith.ori %and3A_84, %and3A_99 : vector<32x8192xi32>
    %slice3A_101 = vector.extract_strided_slice %get3A_1 {offsets = [0, 24576], sizes = [64, 8192], strides = [1, 1]} : vector<64x32768xf32> to vector<64x8192xf32>
    %slice3A_102 = vector.extract_strided_slice %slice3A_101 {offsets = [0, 0], sizes = [32, 8192], strides = [1, 1]} : vector<64x8192xf32> to vector<32x8192xf32>
    %bitcast_convert_type3A_103 = tpu.bitcast %slice3A_102 : vector<32x8192xf32> -> vector<32x8192xi32>
    %add3A_104 = arith.constant 32767 : i32
    %add3A_105 = vector.broadcast %add3A_104 : i32 to vector<32x8192xi32>
    %add3A_106 = arith.addi %bitcast_convert_type3A_103, %add3A_105 : vector<32x8192xi32>
    %shift_right_arithmetic3A_107 = arith.constant 16 : i32
    %shift_right_arithmetic3A_108 = vector.broadcast %shift_right_arithmetic3A_107 : i32 to vector<32x8192xi32>
    %shift_right_arithmetic3A_109 = arith.shrsi %bitcast_convert_type3A_103, %shift_right_arithmetic3A_108 : vector<32x8192xi32>
    %and3A_110 = arith.constant 1 : i32
    %and3A_111 = vector.broadcast %and3A_110 : i32 to vector<32x8192xi32>
    %and3A_112 = arith.andi %shift_right_arithmetic3A_109, %and3A_111 : vector<32x8192xi32>
    %add3A_113 = arith.addi %add3A_106, %and3A_112 : vector<32x8192xi32>
    %shift_right_arithmetic3A_114 = arith.constant 16 : i32
    %shift_right_arithmetic3A_115 = vector.broadcast %shift_right_arithmetic3A_114 : i32 to vector<32x8192xi32>
    %shift_right_arithmetic3A_116 = arith.shrsi %add3A_113, %shift_right_arithmetic3A_115 : vector<32x8192xi32>
    %and3A_117 = arith.constant 65535 : i32
    %and3A_118 = vector.broadcast %and3A_117 : i32 to vector<32x8192xi32>
    %and3A_119 = arith.andi %shift_right_arithmetic3A_116, %and3A_118 : vector<32x8192xi32>
    %slice3A_120 = vector.extract_strided_slice %slice3A_101 {offsets = [32, 0], sizes = [32, 8192], strides = [1, 1]} : vector<64x8192xf32> to vector<32x8192xf32>
    %bitcast_convert_type3A_121 = tpu.bitcast %slice3A_120 : vector<32x8192xf32> -> vector<32x8192xi32>
    %add3A_122 = arith.constant 32767 : i32
    %add3A_123 = vector.broadcast %add3A_122 : i32 to vector<32x8192xi32>
    %add3A_124 = arith.addi %bitcast_convert_type3A_121, %add3A_123 : vector<32x8192xi32>
    %shift_right_arithmetic3A_125 = arith.constant 16 : i32
    %shift_right_arithmetic3A_126 = vector.broadcast %shift_right_arithmetic3A_125 : i32 to vector<32x8192xi32>
    %shift_right_arithmetic3A_127 = arith.shrsi %bitcast_convert_type3A_121, %shift_right_arithmetic3A_126 : vector<32x8192xi32>
    %and3A_128 = arith.constant 1 : i32
    %and3A_129 = vector.broadcast %and3A_128 : i32 to vector<32x8192xi32>
    %and3A_130 = arith.andi %shift_right_arithmetic3A_127, %and3A_129 : vector<32x8192xi32>
    %add3A_131 = arith.addi %add3A_124, %and3A_130 : vector<32x8192xi32>
    %and3A_132 = arith.constant -65536 : i32
    %and3A_133 = vector.broadcast %and3A_132 : i32 to vector<32x8192xi32>
    %and3A_134 = arith.andi %add3A_131, %and3A_133 : vector<32x8192xi32>
    %or3A_135 = arith.ori %and3A_119, %and3A_134 : vector<32x8192xi32>
    %concatenate3A = tpu.concatenate %or3A, %or3A_65, %or3A_100, %or3A_135 in 0 : vector<32x8192xi32>, vector<32x8192xi32>, vector<32x8192xi32>, vector<32x8192xi32> -> vector<128x8192xi32>
    %transpose3A = tpu.transpose %concatenate3A, [1, 0] : vector<128x8192xi32> -> vector<8192x128xi32>
    %swap3A = arith.constant 0 : index
    %swap3A_136 = arith.constant 0 : index
    %swap3A_137 = vector.load %arg2[%swap3A, %swap3A_136] : memref<8192x128xi32, #tpu.memory_space<vmem>>, vector<8192x128xi32>
    tpu.vector_store %arg2[%swap3A, %swap3A_136], %transpose3A {strides = array<i32>} : memref<8192x128xi32, #tpu.memory_space<vmem>>, vector<8192x128xi32>,
    return
  }
  func.func @transform_0(%arg0: i32) -> (i32, i32) {
    %c0_i32 = arith.constant 0 : i32
    %c0_i32_0 = arith.constant 0 : i32
    return %c0_i32, %arg0 : i32, i32
  }
  func.func @transform_1(%arg0: i32) -> (i32, i32) {
    %c0_i32 = arith.constant 0 : i32
    %c0_i32_0 = arith.constant 0 : i32
    return %arg0, %c0_i32 : i32, i32
  }
}

module attributes {stable_mosaic.version = 14 : i64} {
  func.func @body(%arg0: i32, %arg1: memref<256x200xi32, #tpu.memory_space<vmem>>, %arg2: memref<256x64xf32, #tpu.memory_space<vmem>>, %arg3: memref<100x64xf32, #tpu.memory_space<vmem>>, %arg4: memref<100x1xf32, #tpu.memory_space<vmem>>, %arg5: memref<100x256xf32, #tpu.memory_space<vmem>>) attributes {dimension_semantics = [#tpu.dimension_semantics<arbitrary>], iteration_bounds = array<i64: 16>, scalar_prefetch = 0 : i64, scratch_operands = 0 : i64, tpu.core_type = #tpu.core_type<tc>, window_params = [{transform_indices = @transform_0, window_bounds = array<i64: 256, 200>}, {transform_indices = @transform_1, window_bounds = array<i64: 256, 64>}, {pipeline_mode = #tpu.pipeline_mode<synchronous>, transform_indices = @transform_2, window_bounds = array<i64: 100, 64>}, {pipeline_mode = #tpu.pipeline_mode<synchronous>, transform_indices = @transform_3, window_bounds = array<i64: 100, 1>}, {transform_indices = @transform_4, window_bounds = array<i64: 100, 256>}]} {
    %get3A = arith.constant 0 : index
    %get3A_0 = arith.constant 0 : index
    %get3A_1 = vector.load %arg1[%get3A, %get3A_0] : memref<256x200xi32, #tpu.memory_space<vmem>>, vector<256x200xi32>
    %ne3A = arith.constant 0 : i32
    %ne3A_2 = vector.broadcast %ne3A : i32 to vector<256x200xi32>
    %ne3A_3 = arith.cmpi ne, %get3A_1, %ne3A_2 : vector<256x200xi32>
    %convert_element_type3A = arith.extui %ne3A_3 : vector<256x200xi1> to vector<256x200xi32>
    %convert_element_type3A_4 = arith.sitofp %convert_element_type3A : vector<256x200xi32> to vector<256x200xf32>
    %reduce_sum3A = arith.constant dense<0.000000e+00> : vector<256xf32>
    %reduce_sum3A_5 = vector.multi_reduction <add>, %convert_element_type3A_4, %reduce_sum3A [1] : vector<256x200xf32> to vector<256xf32>
    %broadcast_in_dim3A = vector.shape_cast %reduce_sum3A_5 : vector<256xf32> to vector<256x1xf32>
    %get3A_6 = arith.constant 0 : index
    %get3A_7 = arith.constant 0 : index
    %get3A_8 = vector.load %arg2[%get3A_6, %get3A_7] : memref<256x64xf32, #tpu.memory_space<vmem>>, vector<256x64xf32>
    %div3A = vector.broadcast %broadcast_in_dim3A : vector<256x1xf32> to vector<256x64xf32>
    %div3A_9 = arith.divf %get3A_8, %div3A : vector<256x64xf32>
    %max3A = arith.constant 0.000000e+00 : f32
    %max3A_10 = vector.broadcast %max3A : f32 to vector<256x64xf32>
    %max3A_11 = arith.maximumf %div3A_9, %max3A_10 : vector<256x64xf32>
    %get3A_12 = arith.constant 0 : index
    %get3A_13 = arith.constant 0 : index
    %get3A_14 = vector.load %arg3[%get3A_12, %get3A_13] : memref<100x64xf32, #tpu.memory_space<vmem>>, vector<100x64xf32>
    %dot_general3A = arith.constant dense<0.000000e+00> : vector<100x256xf32>
    %dot_general3A_15 = tpu.matmul %get3A_14, %max3A_11, %dot_general3A {dimension_numbers = #tpu.dot_dimension_numbers<[1], [1], [0], [0], [0, 0, 1, 0], [], []>, transpose_lhs_hint = false} : vector<100x64xf32>, vector<256x64xf32>, vector<100x256xf32> -> vector<100x256xf32>
    %get3A_16 = arith.constant 0 : index
    %get3A_17 = arith.constant 0 : index
    %get3A_18 = vector.load %arg4[%get3A_16, %get3A_17] : memref<100x1xf32, #tpu.memory_space<vmem>>, vector<100x1xf32>
    %add3A = vector.broadcast %get3A_18 : vector<100x1xf32> to vector<100x256xf32>
    %add3A_19 = arith.addf %dot_general3A_15, %add3A : vector<100x256xf32>
    %swap3A = arith.constant 0 : index
    %swap3A_20 = arith.constant 0 : index
    %swap3A_21 = vector.load %arg5[%swap3A, %swap3A_20] : memref<100x256xf32, #tpu.memory_space<vmem>>, vector<100x256xf32>
    tpu.vector_store %arg5[%swap3A, %swap3A_20], %add3A_19 {strides = array<i32>} : memref<100x256xf32, #tpu.memory_space<vmem>>, vector<100x256xf32>,
    return
  }
  func.func @transform_0(%arg0: i32) -> (i32, i32) {
    %c0_i32 = arith.constant 0 : i32
    %c0_i32_0 = arith.constant 0 : i32
    return %arg0, %c0_i32 : i32, i32
  }
  func.func @transform_1(%arg0: i32) -> (i32, i32) {
    %c0_i32 = arith.constant 0 : i32
    %c0_i32_0 = arith.constant 0 : i32
    return %arg0, %c0_i32 : i32, i32
  }
  func.func @transform_2(%arg0: i32) -> (i32, i32) {
    %c0_i32 = arith.constant 0 : i32
    %c0_i32_0 = arith.constant 0 : i32
    %c0_i32_1 = arith.constant 0 : i32
    return %c0_i32, %c0_i32_0 : i32, i32
  }
  func.func @transform_3(%arg0: i32) -> (i32, i32) {
    %c0_i32 = arith.constant 0 : i32
    %c0_i32_0 = arith.constant 0 : i32
    %c0_i32_1 = arith.constant 0 : i32
    return %c0_i32, %c0_i32_0 : i32, i32
  }
  func.func @transform_4(%arg0: i32) -> (i32, i32) {
    %c0_i32 = arith.constant 0 : i32
    %c0_i32_0 = arith.constant 0 : i32
    return %c0_i32, %arg0 : i32, i32
  }
}

</mosaic_0001>

<sc_bundles>
// kernel: kernel.5.cloned.1.call-start
scs
__scs_entry_jumppad:
0x0: {  	(pc) =	sbr.rel $0x88, $3  }
0x1: {  	(tag) =	ssettag $0x0;
	lr =	simm.s32 $0x1  }
0x2: {  	[smem:$0x3F9D] =	sst lr;
	_ =	strace $0xD0000000  }
0x3: {  	_ = 	snop  }
0x4: {  	_ = 	snop  }
0x5: {  	_ = 	snop  }
0x6: {  	_ = 	snop  }
0x7: {  	_ = 	snop  }
__scs_overlays_trampoline_lowered:
0x8: {  	[smem:$0x3FAC] =	sst s0  }
0x9: {  	[smem:$0x3FAD] =	sst s1  }
0xa: {  	[smem:$0x3FAE] =	sst s2  }
0xb: {  	[smem:$0x3FAF] =	sst s3  }
0xc: {  	[smem:$0x3FB0] =	sst s4  }
0xd: {  	[smem:$0x3FB1] =	sst s5  }
0xe: {  	[smem:$0x3FB2] =	sst s6  }
0xf: {  	[smem:$0x3FB3] =	sst s7  }
0x10: {  	[smem:$0x3FB4] =	sst s8  }
0x11: {  	[smem:$0x3FB5] =	sst s9;
	s0 =	simm.s32 @!p0 $0x0  }
0x12: {  	s1 =	sld [smem:$0x3F9B];
	s0 =	simm.s32 @p0 $0x1  }
0x13: {  	[smem:$0x3FB6] =	sst s0;
	s0 =	simm.s32 @!p1 $0x0  }
0x14: {  	s2 =	sld [smem:$0x3F9A];
	s0 =	simm.s32 @p1 $0x1  }
0x15: {  	[smem:$0x3FB7] =	sst s0;
	s0 =	simm.s32 @!p2 $0x0  }
0x16: {  	s3 =	sld [smem:$0x3FDB];
	s0 =	simm.s32 @p2 $0x1  }
0x17: {  	s4 =	simm.s32 $0x1BF5;
	[smem:$0x3FB9] =	sst s0  }
0x18: {  	s0 =	sld [smem:$0x3F9C];
	_ =	swait.ge [sflag:s4], $0x0  }
0x19: {  	s7 =	sld [smem:$0x3F9D]  }
0x1a: {  	s8 =	sadd.s32 $0xFFFFE003, lr  }
0x1b: {  	s9 =	sadd.s32 $0xFFFFFEF7, lr;
	s5 =	simm.s32 $0xFFFFFFFF;
	p2 =	slt.u32 s8, $0xFFFFF086  }
0x1c: {  	p1 =	slt.u32 s9, $0xF7A;
	s5 =	simm.s32 @!p2 $0x0  }
0x1d: {  	s5 =	simm.s32 @p1 $0x1;
	p0 =	seq.s32 s7, s2  }
0x1e: {  	s7 =	smul.u32 @!p0 $0xF7A, s2;
	p2 =	seq.s32 @!p0 s5, $0x0  }
0x1f: {  	s9 =	smul.u32 $0xF7A, s1;
	s8 =	simm.s32 @!p0 $0x1BF5;
	p2 =	por !p2, p0  }
0x20: {  	[sflag:s8] =	ssyncset.s32 @!p0 $0xFFFFF086;
	s6 =	sadd.s32 @!p0 s3, s7;
	s7 =	simm.s32 @!p0 $0x108  }
0x21: {  	s3 =	sadd.s32 s3, s9;
	s6 =	sadd.s32 @!p0 $0x88, s6;
	s7 =	simm.s32 @p2 $0x1082  }
0x22: {  	[simem:s7], [sflag:s8] =	dma.local @!p0 [hbm:s6], $0xF7A  }
0x23: {  	s9 =	sor.u32 $0xD0000000, s2;
	s6 =	simm.s32 $0x108;
	_ =	swait.ge @!p0 [sflag:s8], $0x0  }
0x24: {  	s3 =	sadd.s32 $0x88, s3;
	s6 =	simm.s32 @!p1 $0x1082;
	[sflag:s4] =	ssyncset.s32 $0xFFFFF086  }
0x25: {  	[simem:s6], [sflag:s4] =	dma.local [hbm:s3], $0xF7A  }
0x26: {  	[smem:$0x3F9D] =	sst s1;
	(tag) =	ssettag s2;
	_ =	strace s9  }
0x27: {  	s1 =	sld [smem:$0x3FAD]  }
0x28: {  	s2 =	sld [smem:$0x3FAE]  }
0x29: {  	s4 =	sld [smem:$0x3FB0]  }
0x2a: {  	p0 =	seq.s32 s5, $0x0;
	s5 =	sld [smem:$0x3FB1]  }
0x2b: {  	s6 =	sld [smem:$0x3FB2]  }
0x2c: {  	s7 =	sld [smem:$0x3FB3]  }
0x2d: {  	s3 =	simm.s32 $0x108;
	s8 =	sld [smem:$0x3FB4]  }
0x2e: {  	s3 =	simm.s32 @!p0 $0x1082;
	s9 =	sld [smem:$0x3FB5]  }
0x2f: {  	lr =	sadd.s32 s0, s3;
	s0 =	sld [smem:$0x3FAC]  }
0x30: {  	s3 =	sld [smem:$0x3FAF]  }
0x31: {  	[smem:$0x3FB8] =	sst s10  }
0x32: {  	s10 =	sld [smem:$0x3FB6];
	_ =	sdelay $0x3  }
0x33: {  	p0 =	seq.s32 s10, $0x1;
	s10 =	sld [smem:$0x3FB8];
	_ =	sdelay $0x3  }
0x34: {  	[smem:$0x3FB8] =	sst s10  }
0x35: {  	s10 =	sld [smem:$0x3FB7];
	_ =	sdelay $0x3  }
0x36: {  	p1 =	seq.s32 s10, $0x1;
	s10 =	sld [smem:$0x3FB8];
	_ =	sdelay $0x3  }
0x37: {  	[smem:$0x3FB8] =	sst s10  }
0x38: {  	s10 =	sld [smem:$0x3FB9]  }
0x39: {  	_ = 	snop;
	(pc) =	sbr.ind lr, $3  }
0x3a: {  	_ = 	snop  }
0x3b: {  	_ = 	snop  }
0x3c: {  	p2 =	seq.s32 s10, $0x1;
	s10 =	sld [smem:$0x3FB8]  }
0x3d: {  	_ =	shalt  }
0x3e: {  	_ =	shalt  }
0x3f: {  	_ =	shalt  }
0x40: {  	_ =	shalt  }
0x41: {  	_ =	shalt  }
0x42: {  	_ =	shalt  }
0x43: {  	_ =	shalt  }
0x44: {  	_ =	shalt  }
0x45: {  	_ =	shalt  }
0x46: {  	_ =	shalt  }
0x47: {  	_ =	shalt  }
0x48: {  	_ =	shalt  }
0x49: {  	_ =	shalt  }
0x4a: {  	_ =	shalt  }
0x4b: {  	_ =	shalt  }
0x4c: {  	_ =	shalt  }
0x4d: {  	_ =	shalt  }
0x4e: {  	_ =	shalt  }
0x4f: {  	_ =	shalt  }
0x50: {  	_ =	shalt  }
0x51: {  	_ =	shalt  }
0x52: {  	_ =	shalt  }
0x53: {  	_ =	shalt  }
0x54: {  	_ =	shalt  }
0x55: {  	_ =	shalt  }
0x56: {  	_ =	shalt  }
0x57: {  	_ =	shalt  }
0x58: {  	_ =	shalt  }
0x59: {  	_ =	shalt  }
0x5a: {  	_ =	shalt  }
0x5b: {  	_ =	shalt  }
0x5c: {  	_ =	shalt  }
0x5d: {  	_ =	shalt  }
0x5e: {  	_ =	shalt  }
0x5f: {  	_ =	shalt  }
0x60: {  	_ =	shalt  }
0x61: {  	_ =	shalt  }
0x62: {  	_ =	shalt  }
0x63: {  	_ =	shalt  }
0x64: {  	_ =	shalt  }
0x65: {  	_ =	shalt  }
0x66: {  	_ =	shalt  }
0x67: {  	_ =	shalt  }
0x68: {  	_ =	shalt  }
0x69: {  	_ =	shalt  }
0x6a: {  	_ =	shalt  }
0x6b: {  	_ =	shalt  }
0x6c: {  	_ =	shalt  }
0x6d: {  	_ =	shalt  }
0x6e: {  	_ =	shalt  }
0x6f: {  	_ =	shalt  }
0x70: {  	_ =	shalt  }
0x71: {  	_ =	shalt  }
0x72: {  	_ =	shalt  }
0x73: {  	_ =	shalt  }
0x74: {  	_ =	shalt  }
0x75: {  	_ =	shalt  }
0x76: {  	_ =	shalt  }
0x77: {  	_ =	shalt  }
0x78: {  	_ =	shalt  }
0x79: {  	_ =	shalt  }
0x7a: {  	_ =	shalt  }
0x7b: {  	_ =	shalt  }
0x7c: {  	_ =	shalt  }
0x7d: {  	_ =	shalt  }
0x7e: {  	_ =	shalt  }
0x7f: {  	_ =	shalt  }
0x80: {  	_ =	shalt  }
0x81: {  	_ =	shalt  }
0x82: {  	_ =	shalt  }
0x83: {  	_ =	shalt  }
0x84: {  	_ =	shalt  }
0x85: {  	_ =	shalt  }
0x86: {  	_ =	shalt  }
0x87: {  	_ =	shalt  }
.Lfunc_end0:
.L_simem_size_0:
called_computation_lowered:
.L_overlay_start_0:
0x88: {  	s2 =	sld [smem:$0x3FD9]  }
0x89: {  	s3 =	sld [smem:$0x3FFE];
	_ =	sdelay $0x1  }
0x8a: {  	s1 =	srdreg.scid  }
0x8b: {  	s0 =	sand.u32 $0x1, s1  }
0x8c: {  	s17 =	sshll.u32 s0, $0xA;
	s2 =	sadd.s32 s3, s2  }
0x8d: {  	s2 =	sadd.s32 s2, s17  }
0x8e: {  	[smem:$0x3FC4] =	sst s2  }
0x8f: {  	_ = 	snop  }
0x90: {  	s2 =	sld [smem:$0x3FD0];
	(tm) =	ssettm $0x1  }
0x91: {  	s18 =	sld [smem:$0x3FFB];
	_ =	sdelay $0x3  }
0x92: {  	_ =	strace s18  }
0x93: {  	s3 =	sld [smem:$0x3FFC];
	_ =	sdelay $0x3  }
0x94: {  	_ =	strace s3  }
0x95: {  	s3 =	sld [smem:$0x3FFD];
	_ =	sdelay $0x3  }
0x96: {  	_ =	strace s3  }
0x97: {  	_ =	strace $0x8FFFFFFF  }
0x98: {  	s19 =	sld [smem:$0x3FDB];
	_ =	sdelay $0x1  }
0x99: {  	s4 =	simm.s32 $_scs_section_size  }
0x9a: {  	s5 =	simm.s32 $_size__tile_overlayer_lowered;
	s6 =	simm.s32 $_tile_overlayer_lowered  }
0x9b: {  	s22 =	simm.s32 $0x1BFF;
	s21 =	sshll.u32 s6, $0x1;
	s3 =	sadd.s32 s4, s19  }
0x9c: {  	s7 =	simm.s32 $0x0;
	s20 =	sshll.u32 s5, $0x1;
	s5 =	sadd.s32 s21, s3  }
0x9d: {  	[timem:s7], [sflag:s22] =	dma.local [hbm:s5], s20  }
0x9e: {  	_ =	swait.ge [sflag:s22], s20  }
0x9f: {  	s4 =	ssub.s32 $0x0, s20;
	[sflag:s22] =	ssyncset.done $0x0  }
0xa0: {  	[sflag:s22] =	ssyncadd.s32 s4;
	_ =	sdelay $0x1  }
0xa1: {  	s23 =	simm.s32 $0x1B8B  }
0xa2: {  	_ =	swait.ge [sflag:s23], $0x1  }
0xa3: {  	[sflag:s23] =	ssyncset.done $0x0  }
0xa4: {  	s25 =	simm.s32 $0x1B8E;
	s24 =	sld [smem:$0x3FFE];
	[sflag:s23] =	ssyncadd.s32 $0xFFFFFFFF  }
0xa5: {  	s26 =	simm.s32 $execute0_lowered;
	[smem:$0x3FD2] =	sst s25  }
0xa6: {  	s5 =	sshll.u32 s26, $0x1;
	_ =	strace $0x80000046;
	[dreg:$0x1] =	wrdreg $0xFFFFFFFF  }
0xa7: {  	s28 =	simm.s32 $_size_execute0_lowered;
	s3 =	sadd.s32 s3, s5;
	[dreg:$0x0] =	wrdreg $0x0  }
0xa8: {  	s5 =	sshll.u32 s28, $0x1;
	[dreg:$0x2] =	wrdreg s3  }
0xa9: {  	[dreg:$0x3] =	wrdreg s5  }
0xaa: {  	[dreg:$0x4] =	wrdreg $0xC0  }
0xab: {  	_ =	task [dreg:s7], $0x5FFFF  }
0xac: {  	[dreg:$0x1] =	wrdreg $0xFFFFFFFF  }
0xad: {  	[dreg:$0x0] =	wrdreg $0x60  }
0xae: {  	[dreg:$0x2] =	wrdreg s24  }
0xaf: {  	[dreg:$0x3] =	wrdreg s2  }
0xb0: {  	[dreg:$0x4] =	wrdreg $0x9  }
0xb1: {  	_ =	task.clear_ibuf [dreg:s7], $0x5FFFF;
	_ =	strace $0x90000046  }
0xb2: {  	s29 =	simm.s32 $0x9;
	_ =	strace $0x80000048  }
0xb3: {  	_ =	swait.ge [sflag:s29], $0x1  }
0xb4: {  	[sflag:s29] =	ssyncadd.s32 $0xFFFFFFFF  }
0xb5: {  	_ =	strace $0x90000048  }
0xb6: {  	_ =	sfence  }
0xb7: {  	s30 =	sld [smem:$0x0];
	_ =	sdelay $0x2  }
0xb8: {  	s31 =	sshll.u32 s1, $0xD;
	s1 =	sshrl.u32 s1, $0x2  }
0xb9: {  	s3 =	sand.u32 $0x4000, s31;
	s1 =	sadd.s32 s1, s30  }
0xba: {  	s0 =	sor.u32 s3, s0;
	s1 =	sshll.u32 s1, $0x11  }
0xbb: {  	s0 =	sor.u32 s1, s0  }
0xbc: {  	s0 =	sadd.s32 $0x8F2B, s0  }
0xbd: {  	[sflag:s0] =	ssyncadd.remote.s32 $0x1  }
0xbe: {  	_ =	sfence.sel $0xFFFF  }
0xbf: {  	[dreg:$0x0] =	wrdreg $0xFFFFFFFF;
	(pc) =	sbr.abs _section_cstart, $3  }
0xc0: {  	[dreg:$0x1] =	wrdreg $0xFFFFFFFF  }
0xc1: {  	_ =	task.clear_ibuf [dreg:s7], $0x2FFFF;
	_ =	strace $0x9FFFFFFF  }
0xc2: {  	(tm) =	ssettm $0x7FFFFFFF  }
0xc3: {  	_ =	shalt  }
tec
execute0_lowered:
.L_overlay_start_1:
0x0: {  	(tag) =	ssettag $0x1  }
0x1: {  	s1 =	srdreg.scid;
	s3 =	rddreg [dreg:$0x0]  }
0x2: {  	s0 =	stileid.u32;
	s5 =	rddreg [dreg:$0x1]  }
0x3: {  	s2 =	simm.s32 $0x0;
	s9 =	simm.s32 $0x6800;
	s10 =	simm.s32 $0x68  }
0x4: {  	s11 =	simm.s32 $0x7480;
	s12 =	simm.s32 $0xD0;
	s13 =	simm.s32 $0x8100  }
0x5: {  	s14 =	simm.s32 $0x138;
	s15 =	simm.s32 $0x8D80;
	s16 =	simm.s32 $0x1  }
0x6: {  	s17 =	simm.s32 $0x2;
	s18 =	simm.s32 $0x3;
	s19 =	simm.s32 $0x4  }
0x7: {  	s20 =	simm.s32 $0x9A00;
	s4 =	sand.u32 $0x1, s1;
	s1 =	rddreg [dreg:$0x2]  }
0x8: {  	s21 =	simm.s32 $0x0;
	s31 =	sshll.u32 s0, $0x1;
	[smem:$0x7FF] =	sst s2  }
.Ltmp0:
0x9: {  	s6 =	sor.u32 s4, s31;
	s4 =	ssub.s32 $0x2, s4;
	(pc) =	sbr.rel .LBB2_1-.Ltmp0, $4  }
0xa: {  	s7 =	smul.u32 $0xD00, s6;
	s8 =	sshrl.u32 s4, $0x1;
	s6 =	sshll.u32 s6, $0xA  }
0xb: {  	_ =	strace $0x80000047;
	s8 =	ssub.s32 s4, s8;
	s5 =	sadd.s32 s5, s6  }
0xc: {  	s7 =	sadd.s32 s7, s3;
	s3 =	sadd.s32 $0x20A00, s3;
	s6 =	smax.u32 s8, $0x1  }
0xd: {  	s8 =	simm.s32 $0x64;
	s4 =	sadd.s32 $0xA00, s7;
	s7 =	simm.s32 $0x5  }
.LBB2_12:
0xe: {  	[tilespmem:s23+$0x9A40] =	vst v2  }
0xf: {  	[tilespmem:s23+$0x9A50] =	vst v3;
	s21 =	sadd.s32 $0x1, s21  }
0x10: {  	[tilespmem:s23+$0x9A60] =	vst v0;
	p0 =	sne.s32 s21, s6  }
.Ltmp1:
0x11: {  	[tilespmem:s23+$0x9A70] =	vst v1;
	(pc) =	sbr.rel @!p0 .LBB2_13-.Ltmp1, $4  }
0x12: {  	[hbm4b:s5+s2] =	stream.linear.scatter [tilespmem:s20], [sflag:$0x5], $0x2000, $0x38;
	[tilespmem:$0xBA00] =	vst v63  }
0x13: {  	_ =	swait.ge [sflag:s7], $0x2000  }
0x14: {  	[sflag:s7] =	ssyncset.done $0x0  }
0x15: {  	[sflag:s7] =	ssyncadd.s32 $0xFFFFE000  }
.LBB2_1:
0x16: {  	[tilespmem:s2], [sflag:$0x5] =	stream.linear.gather [hbm4b:s4+s2], $0x6800, $0x38;
	[tilespmem:$0xBA00] =	vst v63  }
0x17: {  	_ =	swait.ge [sflag:s7], $0x6800  }
0x18: {  	[sflag:s7] =	ssyncset.done $0x0  }
0x19: {  	[sflag:s7] =	ssyncadd.s32 $0xFFFF9800  }
0x1a: {  	[tilespmem:s9], [sflag:$0x1] =	stream.indirect.gather [hbm4b:s3+s8], $0x20, s2, s8, $0xb8;
	[tilespmem:$0xBA00] =	vst v63  }
0x1b: {  	_ = 	snop  }
0x1c: {  	[tilespmem:s11], [sflag:$0x2] =	stream.indirect.gather [hbm4b:s3+s8], $0x20, s10, s8, $0xb8;
	[tilespmem:$0xBA00] =	vst v63  }
0x1d: {  	_ = 	snop  }
0x1e: {  	[tilespmem:s13], [sflag:$0x3] =	stream.indirect.gather [hbm4b:s3+s8], $0x20, s12, s8, $0xb8;
	[tilespmem:$0xBA00] =	vst v63  }
0x1f: {  	s22 =	simm.s32 $0x0  }
0x20: {  	[tilespmem:s15], [sflag:$0x4] =	stream.indirect.gather [hbm4b:s3+s8], $0x20, s14, s8, $0xb8;
	[tilespmem:$0xBA00] =	vst v63  }
.LBB2_2:
0x21: {  	_ =	swait.ge [sflag:s16], $0xC80  }
0x22: {  	[sflag:s16] =	ssyncset.done $0x0  }
0x23: {  	s24 =	simm.s32 $0x0;
	[sflag:s16] =	ssyncadd.s32 $0xFFFFF380  }
0x24: {  	v1 =	vld [tilespmem:s24+$0x6860]  }
0x25: {  	v2 =	vld [tilespmem:s24+$0x6840]  }
0x26: {  	v3 =	vld [tilespmem:s24+$0x6820]  }
0x27: {  	v4 =	vld [tilespmem:s24+$0x6800]  }
0x28: {  	v5 =	vld [tilespmem:s24+$0x6810];
	_ =	sdelay $0x1  }
0x29: {  	v6 =	vimm.f32 $0.0e+00;
	v8 =	vld [tilespmem:s24+$0x6830]  }
0x2a: {  	v9 =	vshll.u32 v2, $0x10;
	v0 =	vshll.u32 v1, $0x10;
	v1 =	vand.u32 $0xFFFF0000, v1  }
0x2b: {  	v13 =	vld [tilespmem:s24+$0x6850];
	v10 =	vshll.u32 v3, $0x10;
	v11 =	vand.u32 $0xFFFF0000, v3;
	v12 =	vand.u32 $0xFFFF0000, v2  }
0x2c: {  	v2 =	vshll.u32 v4, $0x10;
	v3 =	vand.u32 $0xFFFF0000, v4;
	v4 =	vshll.u32 v5, $0x10  }
0x2d: {  	s23 =	simm.s32 $0x80;
	v7 =	vld [tilespmem:s24+$0x6870];
	v14 =	vadd.f32 v2, v6;
	v15 =	vadd.f32 v3, v6;
	v2 =	vand.u32 $0xFFFF0000, v5  }
0x2e: {  	v16 =	vshll.u32 v8, $0x10;
	v3 =	vld [tilespmem:s23+$0x6860];
	v4 =	vadd.f32 v4, v6;
	v6 =	vadd.f32 v2, v6  }
0x2f: {  	v8 =	vand.u32 $0xFFFF0000, v8;
	v5 =	vld [tilespmem:s23+$0x6820];
	v10 =	vadd.f32 v10, v14;
	v11 =	vadd.f32 v11, v15  }
0x30: {  	v63 =	vshll.u32 v13, $0x10;
	v2 =	vld [tilespmem:s23+$0x6840];
	v14 =	vadd.f32 v16, v4;
	v15 =	vadd.f32 v8, v6  }
0x31: {  	v4 =	vld [tilespmem:s23+$0x6810];
	v8 =	vadd.f32 v9, v10;
	v9 =	vadd.f32 v12, v11;
	v11 =	vand.u32 $0xFFFF0000, v13  }
0x32: {  	s24 =	simm.s32 $0x400;
	v6 =	vld [tilespmem:s23+$0x6800];
	v10 =	vadd.f32 v63, v14;
	v12 =	vshll.u32 v7, $0x10;
	v11 =	vadd.f32 v11, v15  }
.LBB2_3:
0x33: {  	p0 =	sne.s32 s24, $0x3000;
	v8 =	vadd.f32 v0, v8;
	v9 =	vadd.f32 v1, v9;
	v0 =	vand.u32 $0xFFFF0000, v7  }
0x34: {  	v13 =	vld [tilespmem:s23+$0x6830];
	v10 =	vadd.f32 v12, v10;
	v11 =	vadd.f32 v0, v11  }
0x35: {  	v1 =	vand.u32 $0xFFFF0000, v3;
	v12 =	vshll.u32 v2, $0x10;
	v0 =	vshll.u32 v3, $0x10  }
0x36: {  	v15 =	vand.u32 $0xFFFF0000, v2;
	v14 =	vshll.u32 v5, $0x10;
	v5 =	vand.u32 $0xFFFF0000, v5;
	v16 =	vld [tilespmem:s23+$0x6850]  }
0x37: {  	v2 =	vshll.u32 v6, $0x10;
	v3 =	vand.u32 $0xFFFF0000, v6;
	v6 =	vshll.u32 v4, $0x10  }
0x38: {  	v8 =	vadd.f32 v2, v8;
	v9 =	vadd.f32 v3, v9;
	v2 =	vand.u32 $0xFFFF0000, v4;
	v7 =	vld [tilespmem:s23+$0x6870];
	s23 =	sshra.s32 s24, $0x2  }
.Ltmp2:
0x39: {  	v4 =	vadd.f32 v6, v10;
	v6 =	vadd.f32 v2, v11;
	v3 =	vld [tilespmem:s23+$0x6860];
	v10 =	vshll.u32 v13, $0x10;
	(pc) =	sbr.rel @p0 .LBB2_3-.Ltmp2, $4  }
0x3a: {  	v8 =	vadd.f32 v14, v8;
	v9 =	vadd.f32 v5, v9;
	v11 =	vand.u32 $0xFFFF0000, v13;
	v2 =	vld [tilespmem:s23+$0x6840]  }
0x3b: {  	v10 =	vadd.f32 v10, v4;
	v11 =	vadd.f32 v11, v6;
	v5 =	vld [tilespmem:s23+$0x6820];
	v13 =	vshll.u32 v16, $0x10  }
0x3c: {  	v8 =	vadd.f32 v12, v8;
	v9 =	vadd.f32 v15, v9;
	v12 =	vand.u32 $0xFFFF0000, v16;
	v6 =	vld [tilespmem:s23+$0x6800]  }
0x3d: {  	s24 =	sadd.s32 $0x200, s24;
	v10 =	vadd.f32 v13, v10;
	v11 =	vadd.f32 v12, v11;
	v4 =	vld [tilespmem:s23+$0x6810];
	v12 =	vshll.u32 v7, $0x10  }
0x3e: {  	p0 =	seq.s32 s22, $0x3F  }
0x3f: {  	s24 =	smul.u32 @!p0 $0x680, s22  }
0x40: {  	v13 =	vld [tilespmem:s23+$0x6830]  }
0x41: {  	v0 =	vadd.f32 v0, v8;
	v1 =	vadd.f32 v1, v9;
	v7 =	vand.u32 $0xFFFF0000, v7;
	v8 =	vld [tilespmem:s23+$0x6850];
	s24 =	sshra.s32 @!p0 s24, $0x2  }
0x42: {  	v9 =	vadd.f32 v12, v10;
	v7 =	vadd.f32 v7, v11;
	v10 =	vld [tilespmem:s23+$0x6870];
	s25 =	simm.s32 @!p0 $0x64;
	s26 =	simm.s32 @!p0 $0x6800;
	s23 =	sadd.s32 @!p0 $0x1A0, s24  }
0x43: {  	v11 =	vshll.u32 v2, $0x10;
	v12 =	vshll.u32 v3, $0x10;
	v3 =	vand.u32 $0xFFFF0000, v3;
	[tilespmem:s26], [sflag:$0x1] =	stream.indirect.gather @!p0 [hbm4b:s3+s25], $0x20, s23, s25, $0xb8;
	[tilespmem:$0xBA00] =	vst v63  }
0x44: {  	v2 =	vand.u32 $0xFFFF0000, v2;
	v14 =	vshll.u32 v5, $0x10;
	v15 =	vshll.u32 v6, $0x10;
	_ =	swait.ge [sflag:s17], $0xC80  }
0x45: {  	v5 =	vand.u32 $0xFFFF0000, v5;
	v6 =	vand.u32 $0xFFFF0000, v6;
	v0 =	vadd.f32 v15, v0;
	[sflag:s17] =	ssyncset.done $0x0  }
0x46: {  	s31 =	simm.s32 $0x0;
	v15 =	vshll.u32 v4, $0x10;
	v1 =	vadd.f32 v6, v1;
	v4 =	vand.u32 $0xFFFF0000, v4;
	[sflag:s17] =	ssyncadd.s32 $0xFFFFF380  }
0x47: {  	v6 =	vadd.f32 v15, v9;
	v4 =	vadd.f32 v4, v7;
	v7 =	vshll.u32 v13, $0x10;
	v9 =	vld [tilespmem:s31+$0x74E0]  }
0x48: {  	v0 =	vadd.f32 v14, v0;
	v1 =	vadd.f32 v5, v1;
	v5 =	vand.u32 $0xFFFF0000, v13;
	v13 =	vld [tilespmem:s31+$0x74C0]  }
0x49: {  	v6 =	vadd.f32 v7, v6;
	v4 =	vadd.f32 v5, v4;
	v5 =	vshll.u32 v8, $0x10;
	v7 =	vld [tilespmem:s31+$0x74A0]  }
0x4a: {  	v0 =	vadd.f32 v11, v0;
	v1 =	vadd.f32 v2, v1;
	v2 =	vand.u32 $0xFFFF0000, v8;
	v8 =	vld [tilespmem:s31+$0x7480]  }
0x4b: {  	v5 =	vadd.f32 v5, v6;
	v2 =	vadd.f32 v2, v4;
	v4 =	vshll.u32 v10, $0x10;
	v6 =	vld [tilespmem:s31+$0x7490]  }
0x4c: {  	v0 =	vadd.f32 v12, v0;
	v3 =	vadd.f32 v3, v1;
	v1 =	vand.u32 $0xFFFF0000, v10  }
0x4d: {  	v11 =	vld [tilespmem:s31+$0x74B0];
	v5 =	vadd.f32 v4, v5;
	v10 =	vadd.f32 v1, v2  }
0x4e: {  	v12 =	vshll.u32 v13, $0x10;
	v1 =	vshll.u32 v9, $0x10;
	v2 =	vand.u32 $0xFFFF0000, v9  }
0x4f: {  	v14 =	vld [tilespmem:s31+$0x74D0];
	v9 =	vshll.u32 v7, $0x10;
	v7 =	vand.u32 $0xFFFF0000, v7;
	v13 =	vand.u32 $0xFFFF0000, v13  }
0x50: {  	v4 =	vshll.u32 v8, $0x10;
	v8 =	vand.u32 $0xFFFF0000, v8;
	v15 =	vshll.u32 v6, $0x10  }
0x51: {  	s23 =	simm.s32 $0x80;
	v16 =	vadd.f32 v4, v0;
	v8 =	vadd.f32 v8, v3;
	v3 =	vand.u32 $0xFFFF0000, v6;
	v4 =	vld [tilespmem:s31+$0x74F0]  }
0x52: {  	v0 =	vld [tilespmem:s23+$0x74E0];
	v6 =	vadd.f32 v15, v5;
	v15 =	vshll.u32 v11, $0x10;
	v10 =	vadd.f32 v3, v10  }
0x53: {  	v5 =	vld [tilespmem:s23+$0x74A0];
	v9 =	vadd.f32 v9, v16;
	v7 =	vadd.f32 v7, v8;
	v8 =	vand.u32 $0xFFFF0000, v11  }
0x54: {  	v3 =	vld [tilespmem:s23+$0x74C0];
	v11 =	vadd.f32 v15, v6;
	v15 =	vadd.f32 v8, v10;
	v10 =	vshll.u32 v14, $0x10  }
0x55: {  	v6 =	vld [tilespmem:s23+$0x7480];
	v8 =	vadd.f32 v12, v9;
	v9 =	vadd.f32 v13, v7;
	v12 =	vand.u32 $0xFFFF0000, v14  }
0x56: {  	s25 =	simm.s32 $0x400;
	v7 =	vld [tilespmem:s23+$0x7490];
	v10 =	vadd.f32 v10, v11;
	v11 =	vadd.f32 v12, v15;
	v12 =	vshll.u32 v4, $0x10  }
.LBB2_5:
0x57: {  	p1 =	sne.s32 s25, $0x3000;
	v8 =	vadd.f32 v1, v8;
	v9 =	vadd.f32 v2, v9;
	v1 =	vand.u32 $0xFFFF0000, v4  }
0x58: {  	v13 =	vld [tilespmem:s23+$0x74B0];
	v10 =	vadd.f32 v12, v10;
	v11 =	vadd.f32 v1, v11  }
0x59: {  	v2 =	vand.u32 $0xFFFF0000, v0;
	v12 =	vshll.u32 v3, $0x10;
	v1 =	vshll.u32 v0, $0x10  }
0x5a: {  	v15 =	vand.u32 $0xFFFF0000, v3;
	v14 =	vshll.u32 v5, $0x10;
	v5 =	vand.u32 $0xFFFF0000, v5;
	v16 =	vld [tilespmem:s23+$0x74D0]  }
0x5b: {  	v0 =	vshll.u32 v6, $0x10;
	v3 =	vand.u32 $0xFFFF0000, v6;
	v6 =	vshll.u32 v7, $0x10  }
0x5c: {  	v8 =	vadd.f32 v0, v8;
	v9 =	vadd.f32 v3, v9;
	v3 =	vand.u32 $0xFFFF0000, v7;
	v4 =	vld [tilespmem:s23+$0x74F0];
	s23 =	sshra.s32 s25, $0x2  }
.Ltmp3:
0x5d: {  	v6 =	vadd.f32 v6, v10;
	v7 =	vadd.f32 v3, v11;
	v0 =	vld [tilespmem:s23+$0x74E0];
	v10 =	vshll.u32 v13, $0x10;
	(pc) =	sbr.rel @p1 .LBB2_5-.Ltmp3, $4  }
0x5e: {  	v8 =	vadd.f32 v14, v8;
	v9 =	vadd.f32 v5, v9;
	v11 =	vand.u32 $0xFFFF0000, v13;
	v3 =	vld [tilespmem:s23+$0x74C0]  }
0x5f: {  	v10 =	vadd.f32 v10, v6;
	v11 =	vadd.f32 v11, v7;
	v5 =	vld [tilespmem:s23+$0x74A0];
	v13 =	vshll.u32 v16, $0x10  }
0x60: {  	v8 =	vadd.f32 v12, v8;
	v9 =	vadd.f32 v15, v9;
	v12 =	vand.u32 $0xFFFF0000, v16;
	v6 =	vld [tilespmem:s23+$0x7480]  }
0x61: {  	s25 =	sadd.s32 $0x200, s25;
	v10 =	vadd.f32 v13, v10;
	v11 =	vadd.f32 v12, v11;
	v7 =	vld [tilespmem:s23+$0x7490];
	v12 =	vshll.u32 v4, $0x10  }
0x62: {  	v1 =	vadd.f32 v1, v8  }
0x63: {  	v2 =	vadd.f32 v2, v9;
	v4 =	vand.u32 $0xFFFF0000, v4;
	v8 =	vld [tilespmem:s23+$0x74B0];
	v9 =	vadd.f32 v12, v10  }
0x64: {  	v4 =	vadd.f32 v4, v11;
	v10 =	vshll.u32 v3, $0x10;
	v3 =	vand.u32 $0xFFFF0000, v3  }
0x65: {  	v11 =	vshll.u32 v5, $0x10;
	v5 =	vand.u32 $0xFFFF0000, v5;
	v13 =	vshll.u32 v6, $0x10  }
0x66: {  	v12 =	vld [tilespmem:s23+$0x74D0];
	v6 =	vand.u32 $0xFFFF0000, v6;
	v14 =	vshll.u32 v7, $0x10;
	v1 =	vadd.f32 v13, v1  }
0x67: {  	v2 =	vadd.f32 v6, v2;
	v6 =	vand.u32 $0xFFFF0000, v7;
	v9 =	vadd.f32 v14, v9  }
0x68: {  	v7 =	vld [tilespmem:s23+$0x74F0];
	v4 =	vadd.f32 v6, v4;
	v6 =	vshll.u32 v8, $0x10;
	v1 =	vadd.f32 v11, v1  }
0x69: {  	v2 =	vadd.f32 v5, v2;
	v5 =	vand.u32 $0xFFFF0000, v8;
	v8 =	vshll.u32 v0, $0x10  }
0x6a: {  	s25 =	simm.s32 @!p0 $0x64;
	v0 =	vand.u32 $0xFFFF0000, v0;
	v6 =	vadd.f32 v6, v9;
	v1 =	vadd.f32 v10, v1  }
0x6b: {  	s26 =	simm.s32 @!p0 $0x7480;
	s30 =	sshll.u32 s22, $0x7;
	s23 =	sadd.s32 @!p0 $0x208, s24;
	v4 =	vadd.f32 v5, v4;
	v5 =	vshll.u32 v12, $0x10;
	v2 =	vadd.f32 v3, v2  }
0x6c: {  	[tilespmem:s26], [sflag:$0x2] =	stream.indirect.gather @!p0 [hbm4b:s3+s25], $0x20, s23, s25, $0xb8;
	v3 =	vadd.f32 v5, v6;
	v5 =	vand.u32 $0xFFFF0000, v12;
	v1 =	vadd.f32 v8, v1;
	[tilespmem:$0xBA00] =	vst v63  }
0x6d: {  	s23 =	sand.u32 $0x3FFFFF80, s30;
	v6 =	vshll.u32 v7, $0x10;
	v4 =	vadd.f32 v5, v4;
	v0 =	vadd.f32 v0, v2  }
0x6e: {  	v2 =	vand.u32 $0xFFFF0000, v7;
	v3 =	vadd.f32 v6, v3;
	[tilespmem:s23+$0x9A00] =	vst v1  }
0x6f: {  	v1 =	vadd.f32 v2, v4;
	[tilespmem:s23+$0x9A20] =	vst v0  }
0x70: {  	[tilespmem:s23+$0x9A10] =	vst v3  }
0x71: {  	[tilespmem:s23+$0x9A30] =	vst v1  }
0x72: {  	_ =	swait.ge [sflag:s18], $0xC80  }
0x73: {  	[sflag:s18] =	ssyncset.done $0x0  }
0x74: {  	s31 =	simm.s32 $0x0;
	[sflag:s18] =	ssyncadd.s32 $0xFFFFF380  }
0x75: {  	v1 =	vld [tilespmem:s31+$0x8160]  }
0x76: {  	v2 =	vld [tilespmem:s31+$0x8140]  }
0x77: {  	v3 =	vld [tilespmem:s31+$0x8120]  }
0x78: {  	v4 =	vld [tilespmem:s31+$0x8100]  }
0x79: {  	v5 =	vld [tilespmem:s31+$0x8110];
	_ =	sdelay $0x1  }
0x7a: {  	v6 =	vimm.f32 $0.0e+00;
	v8 =	vld [tilespmem:s31+$0x8130]  }
0x7b: {  	v9 =	vshll.u32 v2, $0x10;
	v0 =	vshll.u32 v1, $0x10;
	v1 =	vand.u32 $0xFFFF0000, v1  }
0x7c: {  	v13 =	vld [tilespmem:s31+$0x8150];
	v10 =	vshll.u32 v3, $0x10;
	v11 =	vand.u32 $0xFFFF0000, v3;
	v12 =	vand.u32 $0xFFFF0000, v2  }
0x7d: {  	v2 =	vshll.u32 v4, $0x10;
	v3 =	vand.u32 $0xFFFF0000, v4;
	v4 =	vshll.u32 v5, $0x10  }
0x7e: {  	s25 =	simm.s32 $0x80;
	v7 =	vld [tilespmem:s31+$0x8170];
	v14 =	vadd.f32 v2, v6;
	v15 =	vadd.f32 v3, v6;
	v2 =	vand.u32 $0xFFFF0000, v5  }
0x7f: {  	v16 =	vshll.u32 v8, $0x10;
	v3 =	vld [tilespmem:s25+$0x8160];
	v4 =	vadd.f32 v4, v6;
	v6 =	vadd.f32 v2, v6  }
0x80: {  	v8 =	vand.u32 $0xFFFF0000, v8;
	v5 =	vld [tilespmem:s25+$0x8120];
	v10 =	vadd.f32 v10, v14;
	v11 =	vadd.f32 v11, v15  }
0x81: {  	v63 =	vshll.u32 v13, $0x10;
	v2 =	vld [tilespmem:s25+$0x8140];
	v14 =	vadd.f32 v16, v4;
	v15 =	vadd.f32 v8, v6  }
0x82: {  	v4 =	vld [tilespmem:s25+$0x8110];
	v8 =	vadd.f32 v9, v10;
	v9 =	vadd.f32 v12, v11;
	v11 =	vand.u32 $0xFFFF0000, v13  }
0x83: {  	s26 =	simm.s32 $0x400;
	v6 =	vld [tilespmem:s25+$0x8100];
	v10 =	vadd.f32 v63, v14;
	v12 =	vshll.u32 v7, $0x10;
	v11 =	vadd.f32 v11, v15  }
.LBB2_7:
0x84: {  	p1 =	sne.s32 s26, $0x3000;
	v8 =	vadd.f32 v0, v8;
	v9 =	vadd.f32 v1, v9;
	v0 =	vand.u32 $0xFFFF0000, v7  }
0x85: {  	v13 =	vld [tilespmem:s25+$0x8130];
	v10 =	vadd.f32 v12, v10;
	v11 =	vadd.f32 v0, v11  }
0x86: {  	v1 =	vand.u32 $0xFFFF0000, v3;
	v12 =	vshll.u32 v2, $0x10;
	v0 =	vshll.u32 v3, $0x10  }
0x87: {  	v15 =	vand.u32 $0xFFFF0000, v2;
	v14 =	vshll.u32 v5, $0x10;
	v5 =	vand.u32 $0xFFFF0000, v5;
	v16 =	vld [tilespmem:s25+$0x8150]  }
0x88: {  	v2 =	vshll.u32 v6, $0x10;
	v3 =	vand.u32 $0xFFFF0000, v6;
	v6 =	vshll.u32 v4, $0x10  }
0x89: {  	v8 =	vadd.f32 v2, v8;
	v9 =	vadd.f32 v3, v9;
	v2 =	vand.u32 $0xFFFF0000, v4;
	v7 =	vld [tilespmem:s25+$0x8170];
	s25 =	sshra.s32 s26, $0x2  }
.Ltmp4:
0x8a: {  	v4 =	vadd.f32 v6, v10;
	v6 =	vadd.f32 v2, v11;
	v3 =	vld [tilespmem:s25+$0x8160];
	v10 =	vshll.u32 v13, $0x10;
	(pc) =	sbr.rel @p1 .LBB2_7-.Ltmp4, $4  }
0x8b: {  	v8 =	vadd.f32 v14, v8;
	v9 =	vadd.f32 v5, v9;
	v11 =	vand.u32 $0xFFFF0000, v13;
	v2 =	vld [tilespmem:s25+$0x8140]  }
0x8c: {  	v10 =	vadd.f32 v10, v4;
	v11 =	vadd.f32 v11, v6;
	v5 =	vld [tilespmem:s25+$0x8120];
	v13 =	vshll.u32 v16, $0x10  }
0x8d: {  	v8 =	vadd.f32 v12, v8;
	v9 =	vadd.f32 v15, v9;
	v12 =	vand.u32 $0xFFFF0000, v16;
	v6 =	vld [tilespmem:s25+$0x8100]  }
0x8e: {  	s26 =	sadd.s32 $0x200, s26;
	v10 =	vadd.f32 v13, v10;
	v11 =	vadd.f32 v12, v11;
	v4 =	vld [tilespmem:s25+$0x8110];
	v12 =	vshll.u32 v7, $0x10  }
0x8f: {  	v13 =	vld [tilespmem:s25+$0x8130]  }
0x90: {  	v0 =	vadd.f32 v0, v8;
	v1 =	vadd.f32 v1, v9;
	v7 =	vand.u32 $0xFFFF0000, v7;
	v8 =	vld [tilespmem:s25+$0x8150]  }
0x91: {  	s24 =	sadd.s32 @!p0 $0x270, s24;
	s26 =	simm.s32 @!p0 $0x8100;
	v9 =	vadd.f32 v12, v10;
	v7 =	vadd.f32 v7, v11;
	v10 =	vld [tilespmem:s25+$0x8170];
	s25 =	simm.s32 @!p0 $0x64  }
0x92: {  	v11 =	vshll.u32 v2, $0x10;
	v12 =	vshll.u32 v3, $0x10;
	v3 =	vand.u32 $0xFFFF0000, v3;
	[tilespmem:s26], [sflag:$0x3] =	stream.indirect.gather @!p0 [hbm4b:s3+s25], $0x20, s24, s25, $0xb8;
	[tilespmem:$0xBA00] =	vst v63  }
0x93: {  	v2 =	vand.u32 $0xFFFF0000, v2;
	v14 =	vshll.u32 v5, $0x10;
	v15 =	vshll.u32 v6, $0x10;
	_ =	swait.ge [sflag:s19], $0xC80  }
0x94: {  	v5 =	vand.u32 $0xFFFF0000, v5;
	v6 =	vand.u32 $0xFFFF0000, v6;
	v0 =	vadd.f32 v15, v0;
	[sflag:s19] =	ssyncset.done $0x0  }
0x95: {  	s31 =	simm.s32 $0x0;
	v15 =	vshll.u32 v4, $0x10;
	v1 =	vadd.f32 v6, v1;
	v4 =	vand.u32 $0xFFFF0000, v4;
	[sflag:s19] =	ssyncadd.s32 $0xFFFFF380  }
0x96: {  	v6 =	vadd.f32 v15, v9;
	v4 =	vadd.f32 v4, v7;
	v7 =	vshll.u32 v13, $0x10;
	v9 =	vld [tilespmem:s31+$0x8DE0]  }
0x97: {  	v0 =	vadd.f32 v14, v0;
	v1 =	vadd.f32 v5, v1;
	v5 =	vand.u32 $0xFFFF0000, v13;
	v13 =	vld [tilespmem:s31+$0x8DC0]  }
0x98: {  	v6 =	vadd.f32 v7, v6;
	v4 =	vadd.f32 v5, v4;
	v5 =	vshll.u32 v8, $0x10;
	v7 =	vld [tilespmem:s31+$0x8DA0]  }
0x99: {  	v0 =	vadd.f32 v11, v0;
	v1 =	vadd.f32 v2, v1;
	v2 =	vand.u32 $0xFFFF0000, v8;
	v8 =	vld [tilespmem:s31+$0x8D80]  }
0x9a: {  	v5 =	vadd.f32 v5, v6;
	v2 =	vadd.f32 v2, v4;
	v4 =	vshll.u32 v10, $0x10;
	v6 =	vld [tilespmem:s31+$0x8D90]  }
0x9b: {  	v11 =	vadd.f32 v12, v0;
	v3 =	vadd.f32 v3, v1;
	v0 =	vand.u32 $0xFFFF0000, v10  }
0x9c: {  	v12 =	vld [tilespmem:s31+$0x8DB0];
	v5 =	vadd.f32 v4, v5;
	v10 =	vadd.f32 v0, v2  }
0x9d: {  	v14 =	vshll.u32 v13, $0x10;
	v0 =	vshll.u32 v9, $0x10;
	v1 =	vand.u32 $0xFFFF0000, v9  }
0x9e: {  	v15 =	vld [tilespmem:s31+$0x8DD0];
	v13 =	vand.u32 $0xFFFF0000, v13;
	v9 =	vshll.u32 v7, $0x10;
	v7 =	vand.u32 $0xFFFF0000, v7  }
0x9f: {  	v2 =	vshll.u32 v8, $0x10;
	v4 =	vand.u32 $0xFFFF0000, v8;
	v8 =	vshll.u32 v6, $0x10  }
0xa0: {  	s24 =	simm.s32 $0x80;
	v11 =	vadd.f32 v2, v11;
	v16 =	vadd.f32 v4, v3;
	v3 =	vand.u32 $0xFFFF0000, v6;
	v4 =	vld [tilespmem:s31+$0x8DF0]  }
0xa1: {  	v2 =	vld [tilespmem:s24+$0x8DE0];
	v6 =	vadd.f32 v8, v5;
	v8 =	vadd.f32 v3, v10;
	v10 =	vshll.u32 v12, $0x10  }
0xa2: {  	v3 =	vld [tilespmem:s24+$0x8DC0];
	v9 =	vadd.f32 v9, v11;
	v7 =	vadd.f32 v7, v16;
	v11 =	vand.u32 $0xFFFF0000, v12  }
0xa3: {  	v5 =	vld [tilespmem:s24+$0x8DA0];
	v12 =	vshll.u32 v15, $0x10;
	v10 =	vadd.f32 v10, v6;
	v11 =	vadd.f32 v11, v8  }
0xa4: {  	v6 =	vld [tilespmem:s24+$0x8D80];
	v8 =	vadd.f32 v14, v9;
	v9 =	vadd.f32 v13, v7;
	v13 =	vand.u32 $0xFFFF0000, v15  }
0xa5: {  	s25 =	simm.s32 $0x400;
	v7 =	vld [tilespmem:s24+$0x8D90];
	v10 =	vadd.f32 v12, v10;
	v11 =	vadd.f32 v13, v11;
	v12 =	vshll.u32 v4, $0x10  }
.LBB2_9:
0xa6: {  	p1 =	sne.s32 s25, $0x3000;
	v8 =	vadd.f32 v0, v8;
	v9 =	vadd.f32 v1, v9;
	v0 =	vand.u32 $0xFFFF0000, v4  }
0xa7: {  	v13 =	vld [tilespmem:s24+$0x8DB0];
	v10 =	vadd.f32 v12, v10;
	v11 =	vadd.f32 v0, v11  }
0xa8: {  	v1 =	vand.u32 $0xFFFF0000, v2;
	v12 =	vshll.u32 v3, $0x10;
	v0 =	vshll.u32 v2, $0x10  }
0xa9: {  	v15 =	vand.u32 $0xFFFF0000, v3;
	v14 =	vshll.u32 v5, $0x10;
	v5 =	vand.u32 $0xFFFF0000, v5;
	v16 =	vld [tilespmem:s24+$0x8DD0]  }
0xaa: {  	v2 =	vshll.u32 v6, $0x10;
	v3 =	vand.u32 $0xFFFF0000, v6;
	v6 =	vshll.u32 v7, $0x10  }
0xab: {  	v8 =	vadd.f32 v2, v8;
	v9 =	vadd.f32 v3, v9;
	v3 =	vand.u32 $0xFFFF0000, v7;
	v4 =	vld [tilespmem:s24+$0x8DF0];
	s24 =	sshra.s32 s25, $0x2  }
.Ltmp5:
0xac: {  	v6 =	vadd.f32 v6, v10;
	v7 =	vadd.f32 v3, v11;
	v2 =	vld [tilespmem:s24+$0x8DE0];
	v10 =	vshll.u32 v13, $0x10;
	(pc) =	sbr.rel @p1 .LBB2_9-.Ltmp5, $4  }
0xad: {  	v8 =	vadd.f32 v14, v8;
	v9 =	vadd.f32 v5, v9;
	v11 =	vand.u32 $0xFFFF0000, v13;
	v3 =	vld [tilespmem:s24+$0x8DC0]  }
0xae: {  	v10 =	vadd.f32 v10, v6;
	v11 =	vadd.f32 v11, v7;
	v5 =	vld [tilespmem:s24+$0x8DA0];
	v13 =	vshll.u32 v16, $0x10  }
0xaf: {  	v8 =	vadd.f32 v12, v8;
	v9 =	vadd.f32 v15, v9;
	v12 =	vand.u32 $0xFFFF0000, v16;
	v6 =	vld [tilespmem:s24+$0x8D80]  }
0xb0: {  	s25 =	sadd.s32 $0x200, s25;
	v10 =	vadd.f32 v13, v10;
	v11 =	vadd.f32 v12, v11;
	v7 =	vld [tilespmem:s24+$0x8D90];
	v12 =	vshll.u32 v4, $0x10  }
0xb1: {  	v0 =	vadd.f32 v0, v8;
	v1 =	vadd.f32 v1, v9  }
0xb2: {  	v4 =	vand.u32 $0xFFFF0000, v4;
	v55 =	vld [tilespmem:s24+$0x8DB0];
	v58 =	vshll.u32 v2, $0x10;
	v59 =	vand.u32 $0xFFFF0000, v2  }
0xb3: {  	v56 =	vadd.f32 v12, v10;
	v4 =	vadd.f32 v4, v11;
	v57 =	vshll.u32 v3, $0x10  }
0xb4: {  	v13 =	vld [tilespmem:s24+$0x8DD0];
	v3 =	vand.u32 $0xFFFF0000, v3;
	v2 =	vshll.u32 v5, $0x10;
	v5 =	vand.u32 $0xFFFF0000, v5  }
0xb5: {  	v14 =	vshll.u32 v6, $0x10;
	v60 =	vand.u32 $0xFFFF0000, v6;
	v15 =	vshll.u32 v7, $0x10  }
0xb6: {  	v62 =	vld [tilespmem:s24+$0x8DF0];
	v0 =	vadd.f32 v14, v0;
	v1 =	vadd.f32 v60, v1;
	v61 =	vand.u32 $0xFFFF0000, v7  }
0xb7: {  	v9 =	vadd.f32 v15, v56;
	v4 =	vadd.f32 v61, v4;
	v63 =	vshll.u32 v55, $0x10  }
0xb8: {  	v0 =	vadd.f32 v2, v0;
	v1 =	vadd.f32 v5, v1;
	v2 =	vand.u32 $0xFFFF0000, v55  }
.Ltmp6:
0xb9: {  	v5 =	vadd.f32 v63, v9;
	v2 =	vadd.f32 v2, v4;
	v4 =	vshll.u32 v13, $0x10;
	(pc) =	sbr.rel @p0 .LBB2_12-.Ltmp6, $4  }
0xba: {  	v0 =	vadd.f32 v57, v0;
	v1 =	vadd.f32 v3, v1;
	v3 =	vand.u32 $0xFFFF0000, v13  }
0xbb: {  	v4 =	vadd.f32 v4, v5;
	v5 =	vadd.f32 v3, v2;
	v3 =	vshll.u32 v62, $0x10  }
0xbc: {  	v2 =	vadd.f32 v58, v0;
	v0 =	vadd.f32 v59, v1;
	v1 =	vand.u32 $0xFFFF0000, v62  }
0xbd: {  	v3 =	vadd.f32 v3, v4;
	v1 =	vadd.f32 v1, v5  }
0xbe: {  	s24 =	smul.u32 $0x680, s22;
	_ =	sdelay $0x1  }
0xbf: {  	s24 =	sshra.s32 s24, $0x2  }
0xc0: {  	s24 =	sadd.s32 $0x2D8, s24  }
0xc1: {  	[tilespmem:s15], [sflag:$0x4] =	stream.indirect.gather [hbm4b:s3+s8], $0x20, s24, s8, $0xb8;
	[tilespmem:$0xBA00] =	vst v63  }
.Ltmp7:
0xc2: {  	_ = 	snop;
	(pc) =	sbr.rel .LBB2_2-.Ltmp7, $4  }
0xc3: {  	[tilespmem:s23+$0x9A40] =	vst v2  }
0xc4: {  	[tilespmem:s23+$0x9A50] =	vst v3  }
0xc5: {  	[tilespmem:s23+$0x9A60] =	vst v0  }
0xc6: {  	s22 =	sadd.s32 $0x1, s22;
	[tilespmem:s23+$0x9A70] =	vst v1  }
.LBB2_13:
0xc7: {  	_ =	sfence.sel $0x180000  }
0xc8: {  	[bflag:$0x0] =	sbarrier.arrive $0xFFFF  }
0xc9: {  	p0 =	sne.s32 s0, $0x0;
	_ =	strace $0x90000047  }
0xca: {  	s0 =	sadd.s32 @!p0 $0x100000, s1;
	[bflag:$0x2] =	sbarrier.arrive $0xFFFF  }
0xcb: {  	[sflag:s0] =	ssyncadd.tile.s32 @!p0 $0x1;
	_ =	shalt  }
.Lfunc_end2:
_tile_overlayer_lowered:
.L_overlay_start_2:
0xcc: {  	(tag) =	ssettag $0x2  }
0xcd: {  	s0 =	rddreg [dreg:$0x0];
	s2 =	stileid.u32  }
0xce: {  	s1 =	rddreg [dreg:$0x1];
	p0 =	sne.s32 s2, $0x0  }
0xcf: {  	s3 =	rddreg [dreg:$0x2];
	[bflag:$0x3] =	sbarrier.arrive $0xFFFF;
	s2 =	simm.s32 @!p0 $0x1C05  }
0xd0: {  	[timem:s3], [sflag:s2] =	dma.local @!p0 [hbm:s0], s1  }
0xd1: {  	s0 =	simm.s32 @!p0 $0x5  }
0xd2: {  	_ =	swait.ge @!p0 [sflag:s0], s1  }
0xd3: {  	s1 =	ssub.s32 @!p0 $0x0, s1;
	[sflag:s0] =	ssyncset.done @!p0 $0x0  }
0xd4: {  	[sflag:s0] =	ssyncadd.s32 @!p0 s1  }
0xd5: {  	[bflag:$0x3] =	sbarrier.arrive $0xFFFF  }
0xd6: {  	_ =	shalt  }

</sc_bundles>
